<compile_context>
chip_gen: v7x
topology: tpu7x:2x2x1
jax: 0.10.2.dev20260603
libtpu: 0.0.44.dev20260713+nightly
codegen_flags: <defaults>
</compile_context>

<pallas_src>
import jax
import jax.numpy as jnp
import numpy as np
from jax import lax
from jax.experimental import pallas as pl
from jax.experimental.pallas import tpu as pltpu
from jax.experimental.pallas import tpu_sc as plsc

N = 1_000_000
K = N // 10
WORKERS = 32
E = 32_768
N_PAD = WORKERS * E
VREGS = E // 16
B = 65_536
UNROLL = 8

_F32_MAX_U = np.uint32(0x7FFFFFFF)
_TOPBIT = np.uint32(0x80000000)


def _keyify(v):
  b = plsc.bitcast(v, jnp.uint32)
  neg = b >= _TOPBIT
  t = jnp.where(neg, jnp.uint32(0), _F32_MAX_U)
  return jnp.bitwise_xor(b, t)


def _wid():
  return lax.axis_index("c") * 16 + lax.axis_index("s")


def _hist1_body(in_hbm, out_hbm, data_v, hist_v):
  w = _wid()
  zeros_i = jnp.zeros((16,), jnp.int32)
  ones_i = jnp.ones((16,), jnp.int32)

  pltpu.sync_copy(in_hbm.at[pl.ds(w * E, E)], data_v)

  def clr(i, _):
    hist_v[pl.ds(i * 16, 16)] = zeros_i
    return 0
  lax.fori_loop(0, B // 16, clr, 0)

  def scan_body(i, _):
    for j in range(UNROLL):
      v = data_v[pl.ds((i * UNROLL + j) * 16, 16)]
      u = _keyify(v)
      d = plsc.bitcast(jnp.right_shift(u, jnp.uint32(16)), jnp.int32)
      plsc.addupdate_scatter(hist_v, [d], ones_i)
    return 0
  lax.fori_loop(0, VREGS // UNROLL, scan_body, 0)

  pltpu.sync_copy(hist_v, out_hbm.at[w])


def _round2_body(in_hbm, pref_hbm, cnt_hbm, part_hbm,
                 data_v, cnt_v, pref_v, stagef_v):
  w = _wid()
  zeros_i = jnp.zeros((16,), jnp.int32)
  ones_i = jnp.ones((16,), jnp.int32)
  zeros_f = jnp.zeros((16,), jnp.float32)

  pltpu.sync_copy(in_hbm.at[pl.ds(w * E, E)], data_v)
  pltpu.sync_copy(pref_hbm, pref_v)
  pref_b = plsc.bitcast(pref_v[...], jnp.uint32)

  def clr(i, _):
    cnt_v[pl.ds(i * 16, 16)] = zeros_i
    return 0
  lax.fori_loop(0, B // 16, clr, 0)

  def scan_body(i, acc):
    for j in range(UNROLL):
      v = data_v[pl.ds((i * UNROLL + j) * 16, 16)]
      u = _keyify(v)
      hi = jnp.right_shift(u, jnp.uint32(16))
      acc = acc + jnp.where(hi > pref_b, v, zeros_f)
      m = hi == pref_b
      d = plsc.bitcast(
          jnp.bitwise_and(u, jnp.uint32(0xFFFF)), jnp.int32)
      plsc.addupdate_scatter(cnt_v, [d], ones_i, mask=m)
    return acc
  accf = lax.fori_loop(0, VREGS // UNROLL, scan_body, zeros_f)

  pltpu.sync_copy(cnt_v, cnt_hbm.at[w])
  stagef_v[...] = accf
  pltpu.sync_copy(stagef_v, part_hbm.at[w])


def _make_hist1_kernel():
  mesh = plsc.VectorSubcoreMesh(core_axis_name="c", subcore_axis_name="s")
  return pl.kernel(
      _hist1_body,
      out_type=jax.ShapeDtypeStruct((WORKERS, B), jnp.int32),
      mesh=mesh,
      scratch_types=[
          pltpu.VMEM((E,), jnp.float32),
          pltpu.VMEM((B,), jnp.int32),
      ],
      compiler_params=pltpu.CompilerParams(needs_layout_passes=False),
  )


def _make_round2_kernel():
  mesh = plsc.VectorSubcoreMesh(core_axis_name="c", subcore_axis_name="s")
  return pl.kernel(
      _round2_body,
      out_type=(
          jax.ShapeDtypeStruct((WORKERS, B), jnp.int32),
          jax.ShapeDtypeStruct((WORKERS, 16), jnp.float32),
      ),
      mesh=mesh,
      scratch_types=[
          pltpu.VMEM((E,), jnp.float32),
          pltpu.VMEM((B,), jnp.int32),
          pltpu.VMEM((16,), jnp.int32),
          pltpu.VMEM((16,), jnp.float32),
      ],
      compiler_params=pltpu.CompilerParams(needs_layout_passes=False),
  )


def _pick_pivot(merged, k_rem, bins):
  suf = jnp.cumsum(merged[::-1])[::-1]
  dstar = jnp.max(jnp.where(suf >= k_rem, bins, 0))
  above = jnp.where(dstar < B - 1, suf[jnp.minimum(dstar + 1, B - 1)], 0)
  return dstar, above


@jax.jit
def _es_pallas(xp):
  bins = jnp.arange(B, dtype=jnp.int32)

  hists = _make_hist1_kernel()(xp)
  merged = jnp.sum(hists, axis=0, dtype=jnp.int32)
  d1, above1 = _pick_pivot(merged, jnp.int32(K), bins)
  k_rem = jnp.int32(K) - above1
  prefix = d1.astype(jnp.uint32)

  pref_vec = jnp.broadcast_to(
      lax.bitcast_convert_type(prefix, jnp.int32), (16,))
  cnts2, parts = _make_round2_kernel()(xp, pref_vec)
  merged2 = jnp.sum(cnts2, axis=0, dtype=jnp.int32)
  d2, above2 = _pick_pivot(merged2, k_rem, bins)
  ties = (k_rem - above2).astype(jnp.float32)
  ustar = jnp.bitwise_or(
      jnp.left_shift(prefix, jnp.uint32(16)), d2.astype(jnp.uint32))

  ukeys = jnp.bitwise_or(jnp.left_shift(prefix, jnp.uint32(16)),
                         bins.astype(jnp.uint32))
  bvals = lax.bitcast_convert_type(
      jnp.where(ukeys >= _TOPBIT, ukeys,
                jnp.bitwise_xor(ukeys, _F32_MAX_U)), jnp.float32)
  bucket_tail = jnp.sum(
      jnp.where(bins > d2, merged2.astype(jnp.float32) * bvals,
                jnp.float32(0)))
  total = jnp.sum(parts, dtype=jnp.float32) + bucket_tail

  bb = jnp.where(ustar >= _TOPBIT, ustar,
                 jnp.bitwise_xor(ustar, _F32_MAX_U))
  vstar = lax.bitcast_convert_type(bb, jnp.float32)
  return -(total + ties * vstar) * np.float32(1.0 / K)


def kernel(input):
  pad = jnp.full((N_PAD - N,), jnp.inf, dtype=jnp.float32)
  xp = jnp.concatenate([input, pad])
  return _es_pallas(xp)

# --- scband reference (transcript-rebuilt; emitter-appended) ---
"""Pipeline reference for scband-expected-shortfall-16363825398463 (READ-ONLY COPY).

The authoritative reference and input builder live on the scoring server;
editing this copy changes nothing except your own understanding.
"""

import jax, jax.numpy as jnp
import numpy as np

P = 0.1

def setup_inputs(seed: int = 0) -> dict:
    key = jax.random.key(seed)
    inp = jax.random.normal(key, (1000000,), dtype=jnp.float32)
    return {"input": inp}

def reference(input):
    # ExpectedShortfall.forward: expected_shortfall(input - target, p, dim=0) with target=0.0
    pl = input - 0.0
    n = pl.shape[0]
    k = int(P * n)
    # smallest-k values of pl == -(largest-k of -pl); ES = -mean(smallest-k) = mean(top_k(-pl, k))
    neg_smallest, _ = jax.lax.top_k(-pl, k)
    return jnp.mean(neg_smallest, axis=0)

if __name__ == "__main__":
    import jax
    _d = setup_inputs()
    print(jax.jit(kernel)(*tuple(_d.values())))

</pallas_src>

<mosaic_0001>
#map = affine_map<(d0, d1) -> (0)>
#map1 = affine_map<(d0, d1) -> (0, 0)>
module attributes {stable_mosaic.version = 14 : i64} {
  func.func @_hist1_body(%arg0: i32, %arg1: i32, %arg2: memref<1048576xf32, #tpu.memory_space<hbm>>, %arg3: memref<32x65536xi32, #tpu.memory_space<hbm>>, %arg4: memref<32768xf32, #tpu.memory_space<vmem>>, %arg5: memref<65536xi32, #tpu.memory_space<vmem>>) attributes {dimension_semantics = [#tpu.dimension_semantics<core_parallel>, #tpu.dimension_semantics<subcore_parallel>], iteration_bounds = array<i64: 2, 16>, scalar_prefetch = 0 : i64, scratch_operands = 2 : i64, tpu.core_type = #tpu.core_type<sc_vector_subcore>, window_params = [{transform_indices = #map}, {transform_indices = #map1}]} {
    %mul3A = arith.constant 16 : i32
    %mul3A_0 = arith.muli %arg0, %mul3A : i32
    %add3A = arith.addi %mul3A_0, %arg1 : i32
    %broadcast_in_dim3A = arith.constant 0 : i32
    %broadcast_in_dim3A_1 = vector.broadcast %broadcast_in_dim3A : i32 to vector<16xi32>
    %broadcast_in_dim3A_2 = arith.constant 1 : i32
    %broadcast_in_dim3A_3 = vector.broadcast %broadcast_in_dim3A_2 : i32 to vector<16xi32>
    %mul3A_4 = arith.constant 32768 : i32
    %mul3A_5 = arith.muli %add3A, %mul3A_4 : i32
    "tpu.region"() ({
      %run_scoped3A = tpu.sem_alloc : memref<!tpu.dma_semaphore, #tpu.memory_space<semaphore_mem>>
      %dma_start3A = tpu.memref_slice %arg2[%mul3A_5] : memref<1048576xf32, #tpu.memory_space<hbm>> -> memref<32768xf32, #tpu.memory_space<hbm>>
      %dma_start3A_19 = tpu.memref_slice %arg2[%mul3A_5] : memref<1048576xf32, #tpu.memory_space<hbm>> -> memref<32768xf32, #tpu.memory_space<hbm>>
      tpu.enqueue_dma source(%dma_start3A_19 : memref<32768xf32, #tpu.memory_space<hbm>>) target(%arg4 : memref<32768xf32, #tpu.memory_space<vmem>>) target_semaphore(%run_scoped3A : memref<!tpu.dma_semaphore, #tpu.memory_space<semaphore_mem>>)
      %dma_wait3A = tpu.memref_slice %arg2[%mul3A_5] : memref<1048576xf32, #tpu.memory_space<hbm>> -> memref<32768xf32, #tpu.memory_space<hbm>>
      %dma_wait3A_20 = tpu.memref_slice %arg2[%mul3A_5] : memref<1048576xf32, #tpu.memory_space<hbm>> -> memref<32768xf32, #tpu.memory_space<hbm>>
      tpu.wait_dma2 semaphore(%run_scoped3A : memref<!tpu.dma_semaphore, #tpu.memory_space<semaphore_mem>>) src(%dma_wait3A_20 : memref<32768xf32, #tpu.memory_space<hbm>>) dst(%arg4 : memref<32768xf32, #tpu.memory_space<vmem>>)
      tpu.yield
    }) : () -> ()
    %scan3A = arith.constant 0 : i32
    %scan3A_6 = arith.constant 0 : i32
    %scan3A_7 = arith.constant 4096 : i32
    %scan3A_8 = arith.addi %scan3A_6, %scan3A_7 : i32
    %scan3A_9 = arith.constant 1 : i32
    %scan3A_10 = scf.for %scan3A_19 = %scan3A_6 to %scan3A_8 step %scan3A_9 iter_args(%scan3A_20 = %scan3A) -> (i32)  : i32 {
      %mul3A_21 = arith.constant 16 : i32
      %mul3A_22 = arith.muli %scan3A_19, %mul3A_21 : i32
      %swap3A = arith.index_cast %mul3A_22 : i32 to index
      %swap3A_23 = tpu.vector_load %arg5[%swap3A] {strides = array<i32>} : memref<65536xi32, #tpu.memory_space<vmem>>, vector<16xi32>,
      tpu.vector_store %arg5[%swap3A], %broadcast_in_dim3A_1 {strides = array<i32>} : memref<65536xi32, #tpu.memory_space<vmem>>, vector<16xi32>,
      %scan3A_24 = arith.constant 0 : i32
      scf.yield %scan3A_24 : i32
    }
    %scan3A_11 = arith.constant 4096 : i32
    %scan3A_12 = arith.constant 0 : i32
    %scan3A_13 = arith.constant 0 : i32
    %scan3A_14 = arith.constant 256 : i32
    %scan3A_15 = arith.addi %scan3A_13, %scan3A_14 : i32
    %scan3A_16 = arith.constant 1 : i32
    %scan3A_17 = scf.for %scan3A_19 = %scan3A_13 to %scan3A_15 step %scan3A_16 iter_args(%scan3A_20 = %scan3A_12) -> (i32)  : i32 {
      %mul3A_21 = arith.constant 8 : i32
      %mul3A_22 = arith.muli %scan3A_19, %mul3A_21 : i32
      %add3A_23 = arith.constant 0 : i32
      %add3A_24 = arith.addi %mul3A_22, %add3A_23 : i32
      %mul3A_25 = arith.constant 16 : i32
      %mul3A_26 = arith.muli %add3A_24, %mul3A_25 : i32
      %get3A = arith.index_cast %mul3A_26 : i32 to index
      %get3A_27 = tpu.vector_load %arg4[%get3A] {strides = array<i32>} : memref<32768xf32, #tpu.memory_space<vmem>>, vector<16xf32>,
      %bitcast3A = vector.bitcast %get3A_27 : vector<16xf32> to vector<16xi32>
      %ge3A = arith.constant -2147483648 : i32
      %ge3A_28 = vector.broadcast %ge3A : i32 to vector<16xi32>
      %ge3A_29 = arith.cmpi uge, %bitcast3A, %ge3A_28 : vector<16xi32>
      %jit3A = arith.constant 0 : i32
      %jit3A_30 = arith.constant 2147483647 : i32
      %broadcast_in_dim3A_31 = vector.broadcast %jit3A : i32 to vector<16xi32>
      %broadcast_in_dim3A_32 = vector.broadcast %jit3A_30 : i32 to vector<16xi32>
      %select_n3A = arith.select %ge3A_29, %broadcast_in_dim3A_31, %broadcast_in_dim3A_32 : vector<16xi1>, vector<16xi32>
      %xor3A = arith.xori %bitcast3A, %select_n3A : vector<16xi32>
      %shift_right_logical3A = arith.constant 16 : i32
      %shift_right_logical3A_33 = vector.broadcast %shift_right_logical3A : i32 to vector<16xi32>
      %shift_right_logical3A_34 = arith.shrui %xor3A, %shift_right_logical3A_33 : vector<16xi32>
      %bitcast3A_35 = vector.bitcast %shift_right_logical3A_34 : vector<16xi32> to vector<16xi32>
      tpu.vector_store_idx %arg5[%bitcast3A_35], %broadcast_in_dim3A_3 {add = true} : memref<65536xi32, #tpu.memory_space<vmem>>[vector<16xi32>], vector<16xi32>,
      %mul3A_36 = arith.constant 8 : i32
      %mul3A_37 = arith.muli %scan3A_19, %mul3A_36 : i32
      %add3A_38 = arith.constant 1 : i32
      %add3A_39 = arith.addi %mul3A_37, %add3A_38 : i32
      %mul3A_40 = arith.constant 16 : i32
      %mul3A_41 = arith.muli %add3A_39, %mul3A_40 : i32
      %get3A_42 = arith.index_cast %mul3A_41 : i32 to index
      %get3A_43 = tpu.vector_load %arg4[%get3A_42] {strides = array<i32>} : memref<32768xf32, #tpu.memory_space<vmem>>, vector<16xf32>,
      %bitcast3A_44 = vector.bitcast %get3A_43 : vector<16xf32> to vector<16xi32>
      %ge3A_45 = arith.constant -2147483648 : i32
      %ge3A_46 = vector.broadcast %ge3A_45 : i32 to vector<16xi32>
      %ge3A_47 = arith.cmpi uge, %bitcast3A_44, %ge3A_46 : vector<16xi32>
      %jit3A_48 = arith.constant 0 : i32
      %jit3A_49 = arith.constant 2147483647 : i32
      %broadcast_in_dim3A_50 = vector.broadcast %jit3A_48 : i32 to vector<16xi32>
      %broadcast_in_dim3A_51 = vector.broadcast %jit3A_49 : i32 to vector<16xi32>
      %select_n3A_52 = arith.select %ge3A_47, %broadcast_in_dim3A_50, %broadcast_in_dim3A_51 : vector<16xi1>, vector<16xi32>
      %xor3A_53 = arith.xori %bitcast3A_44, %select_n3A_52 : vector<16xi32>
      %shift_right_logical3A_54 = arith.constant 16 : i32
      %shift_right_logical3A_55 = vector.broadcast %shift_right_logical3A_54 : i32 to vector<16xi32>
      %shift_right_logical3A_56 = arith.shrui %xor3A_53, %shift_right_logical3A_55 : vector<16xi32>
      %bitcast3A_57 = vector.bitcast %shift_right_logical3A_56 : vector<16xi32> to vector<16xi32>
      tpu.vector_store_idx %arg5[%bitcast3A_57], %broadcast_in_dim3A_3 {add = true} : memref<65536xi32, #tpu.memory_space<vmem>>[vector<16xi32>], vector<16xi32>,
      %mul3A_58 = arith.constant 8 : i32
      %mul3A_59 = arith.muli %scan3A_19, %mul3A_58 : i32
      %add3A_60 = arith.constant 2 : i32
      %add3A_61 = arith.addi %mul3A_59, %add3A_60 : i32
      %mul3A_62 = arith.constant 16 : i32
      %mul3A_63 = arith.muli %add3A_61, %mul3A_62 : i32
      %get3A_64 = arith.index_cast %mul3A_63 : i32 to index
      %get3A_65 = tpu.vector_load %arg4[%get3A_64] {strides = array<i32>} : memref<32768xf32, #tpu.memory_space<vmem>>, vector<16xf32>,
      %bitcast3A_66 = vector.bitcast %get3A_65 : vector<16xf32> to vector<16xi32>
      %ge3A_67 = arith.constant -2147483648 : i32
      %ge3A_68 = vector.broadcast %ge3A_67 : i32 to vector<16xi32>
      %ge3A_69 = arith.cmpi uge, %bitcast3A_66, %ge3A_68 : vector<16xi32>
      %jit3A_70 = arith.constant 0 : i32
      %jit3A_71 = arith.constant 2147483647 : i32
      %broadcast_in_dim3A_72 = vector.broadcast %jit3A_70 : i32 to vector<16xi32>
      %broadcast_in_dim3A_73 = vector.broadcast %jit3A_71 : i32 to vector<16xi32>
      %select_n3A_74 = arith.select %ge3A_69, %broadcast_in_dim3A_72, %broadcast_in_dim3A_73 : vector<16xi1>, vector<16xi32>
      %xor3A_75 = arith.xori %bitcast3A_66, %select_n3A_74 : vector<16xi32>
      %shift_right_logical3A_76 = arith.constant 16 : i32
      %shift_right_logical3A_77 = vector.broadcast %shift_right_logical3A_76 : i32 to vector<16xi32>
      %shift_right_logical3A_78 = arith.shrui %xor3A_75, %shift_right_logical3A_77 : vector<16xi32>
      %bitcast3A_79 = vector.bitcast %shift_right_logical3A_78 : vector<16xi32> to vector<16xi32>
      tpu.vector_store_idx %arg5[%bitcast3A_79], %broadcast_in_dim3A_3 {add = true} : memref<65536xi32, #tpu.memory_space<vmem>>[vector<16xi32>], vector<16xi32>,
      %mul3A_80 = arith.constant 8 : i32
      %mul3A_81 = arith.muli %scan3A_19, %mul3A_80 : i32
      %add3A_82 = arith.constant 3 : i32
      %add3A_83 = arith.addi %mul3A_81, %add3A_82 : i32
      %mul3A_84 = arith.constant 16 : i32
      %mul3A_85 = arith.muli %add3A_83, %mul3A_84 : i32
      %get3A_86 = arith.index_cast %mul3A_85 : i32 to index
      %get3A_87 = tpu.vector_load %arg4[%get3A_86] {strides = array<i32>} : memref<32768xf32, #tpu.memory_space<vmem>>, vector<16xf32>,
      %bitcast3A_88 = vector.bitcast %get3A_87 : vector<16xf32> to vector<16xi32>
      %ge3A_89 = arith.constant -2147483648 : i32
      %ge3A_90 = vector.broadcast %ge3A_89 : i32 to vector<16xi32>
      %ge3A_91 = arith.cmpi uge, %bitcast3A_88, %ge3A_90 : vector<16xi32>
      %jit3A_92 = arith.constant 0 : i32
      %jit3A_93 = arith.constant 2147483647 : i32
      %broadcast_in_dim3A_94 = vector.broadcast %jit3A_92 : i32 to vector<16xi32>
      %broadcast_in_dim3A_95 = vector.broadcast %jit3A_93 : i32 to vector<16xi32>
      %select_n3A_96 = arith.select %ge3A_91, %broadcast_in_dim3A_94, %broadcast_in_dim3A_95 : vector<16xi1>, vector<16xi32>
      %xor3A_97 = arith.xori %bitcast3A_88, %select_n3A_96 : vector<16xi32>
      %shift_right_logical3A_98 = arith.constant 16 : i32
      %shift_right_logical3A_99 = vector.broadcast %shift_right_logical3A_98 : i32 to vector<16xi32>
      %shift_right_logical3A_100 = arith.shrui %xor3A_97, %shift_right_logical3A_99 : vector<16xi32>
      %bitcast3A_101 = vector.bitcast %shift_right_logical3A_100 : vector<16xi32> to vector<16xi32>
      tpu.vector_store_idx %arg5[%bitcast3A_101], %broadcast_in_dim3A_3 {add = true} : memref<65536xi32, #tpu.memory_space<vmem>>[vector<16xi32>], vector<16xi32>,
      %mul3A_102 = arith.constant 8 : i32
      %mul3A_103 = arith.muli %scan3A_19, %mul3A_102 : i32
      %add3A_104 = arith.constant 4 : i32
      %add3A_105 = arith.addi %mul3A_103, %add3A_104 : i32
      %mul3A_106 = arith.constant 16 : i32
      %mul3A_107 = arith.muli %add3A_105, %mul3A_106 : i32
      %get3A_108 = arith.index_cast %mul3A_107 : i32 to index
      %get3A_109 = tpu.vector_load %arg4[%get3A_108] {strides = array<i32>} : memref<32768xf32, #tpu.memory_space<vmem>>, vector<16xf32>,
      %bitcast3A_110 = vector.bitcast %get3A_109 : vector<16xf32> to vector<16xi32>
      %ge3A_111 = arith.constant -2147483648 : i32
      %ge3A_112 = vector.broadcast %ge3A_111 : i32 to vector<16xi32>
      %ge3A_113 = arith.cmpi uge, %bitcast3A_110, %ge3A_112 : vector<16xi32>
      %jit3A_114 = arith.constant 0 : i32
      %jit3A_115 = arith.constant 2147483647 : i32
      %broadcast_in_dim3A_116 = vector.broadcast %jit3A_114 : i32 to vector<16xi32>
      %broadcast_in_dim3A_117 = vector.broadcast %jit3A_115 : i32 to vector<16xi32>
      %select_n3A_118 = arith.select %ge3A_113, %broadcast_in_dim3A_116, %broadcast_in_dim3A_117 : vector<16xi1>, vector<16xi32>
      %xor3A_119 = arith.xori %bitcast3A_110, %select_n3A_118 : vector<16xi32>
      %shift_right_logical3A_120 = arith.constant 16 : i32
      %shift_right_logical3A_121 = vector.broadcast %shift_right_logical3A_120 : i32 to vector<16xi32>
      %shift_right_logical3A_122 = arith.shrui %xor3A_119, %shift_right_logical3A_121 : vector<16xi32>
      %bitcast3A_123 = vector.bitcast %shift_right_logical3A_122 : vector<16xi32> to vector<16xi32>
      tpu.vector_store_idx %arg5[%bitcast3A_123], %broadcast_in_dim3A_3 {add = true} : memref<65536xi32, #tpu.memory_space<vmem>>[vector<16xi32>], vector<16xi32>,
      %mul3A_124 = arith.constant 8 : i32
      %mul3A_125 = arith.muli %scan3A_19, %mul3A_124 : i32
      %add3A_126 = arith.constant 5 : i32
      %add3A_127 = arith.addi %mul3A_125, %add3A_126 : i32
      %mul3A_128 = arith.constant 16 : i32
      %mul3A_129 = arith.muli %add3A_127, %mul3A_128 : i32
      %get3A_130 = arith.index_cast %mul3A_129 : i32 to index
      %get3A_131 = tpu.vector_load %arg4[%get3A_130] {strides = array<i32>} : memref<32768xf32, #tpu.memory_space<vmem>>, vector<16xf32>,
      %bitcast3A_132 = vector.bitcast %get3A_131 : vector<16xf32> to vector<16xi32>
      %ge3A_133 = arith.constant -2147483648 : i32
      %ge3A_134 = vector.broadcast %ge3A_133 : i32 to vector<16xi32>
      %ge3A_135 = arith.cmpi uge, %bitcast3A_132, %ge3A_134 : vector<16xi32>
      %jit3A_136 = arith.constant 0 : i32
      %jit3A_137 = arith.constant 2147483647 : i32
      %broadcast_in_dim3A_138 = vector.broadcast %jit3A_136 : i32 to vector<16xi32>
      %broadcast_in_dim3A_139 = vector.broadcast %jit3A_137 : i32 to vector<16xi32>
      %select_n3A_140 = arith.select %ge3A_135, %broadcast_in_dim3A_138, %broadcast_in_dim3A_139 : vector<16xi1>, vector<16xi32>
      %xor3A_141 = arith.xori %bitcast3A_132, %select_n3A_140 : vector<16xi32>
      %shift_right_logical3A_142 = arith.constant 16 : i32
      %shift_right_logical3A_143 = vector.broadcast %shift_right_logical3A_142 : i32 to vector<16xi32>
      %shift_right_logical3A_144 = arith.shrui %xor3A_141, %shift_right_logical3A_143 : vector<16xi32>
      %bitcast3A_145 = vector.bitcast %shift_right_logical3A_144 : vector<16xi32> to vector<16xi32>
      tpu.vector_store_idx %arg5[%bitcast3A_145], %broadcast_in_dim3A_3 {add = true} : memref<65536xi32, #tpu.memory_space<vmem>>[vector<16xi32>], vector<16xi32>,
      %mul3A_146 = arith.constant 8 : i32
      %mul3A_147 = arith.muli %scan3A_19, %mul3A_146 : i32
      %add3A_148 = arith.constant 6 : i32
      %add3A_149 = arith.addi %mul3A_147, %add3A_148 : i32
      %mul3A_150 = arith.constant 16 : i32
      %mul3A_151 = arith.muli %add3A_149, %mul3A_150 : i32
      %get3A_152 = arith.index_cast %mul3A_151 : i32 to index
      %get3A_153 = tpu.vector_load %arg4[%get3A_152] {strides = array<i32>} : memref<32768xf32, #tpu.memory_space<vmem>>, vector<16xf32>,
      %bitcast3A_154 = vector.bitcast %get3A_153 : vector<16xf32> to vector<16xi32>
      %ge3A_155 = arith.constant -2147483648 : i32
      %ge3A_156 = vector.broadcast %ge3A_155 : i32 to vector<16xi32>
      %ge3A_157 = arith.cmpi uge, %bitcast3A_154, %ge3A_156 : vector<16xi32>
      %jit3A_158 = arith.constant 0 : i32
      %jit3A_159 = arith.constant 2147483647 : i32
      %broadcast_in_dim3A_160 = vector.broadcast %jit3A_158 : i32 to vector<16xi32>
      %broadcast_in_dim3A_161 = vector.broadcast %jit3A_159 : i32 to vector<16xi32>
      %select_n3A_162 = arith.select %ge3A_157, %broadcast_in_dim3A_160, %broadcast_in_dim3A_161 : vector<16xi1>, vector<16xi32>
      %xor3A_163 = arith.xori %bitcast3A_154, %select_n3A_162 : vector<16xi32>
      %shift_right_logical3A_164 = arith.constant 16 : i32
      %shift_right_logical3A_165 = vector.broadcast %shift_right_logical3A_164 : i32 to vector<16xi32>
      %shift_right_logical3A_166 = arith.shrui %xor3A_163, %shift_right_logical3A_165 : vector<16xi32>
      %bitcast3A_167 = vector.bitcast %shift_right_logical3A_166 : vector<16xi32> to vector<16xi32>
      tpu.vector_store_idx %arg5[%bitcast3A_167], %broadcast_in_dim3A_3 {add = true} : memref<65536xi32, #tpu.memory_space<vmem>>[vector<16xi32>], vector<16xi32>,
      %mul3A_168 = arith.constant 8 : i32
      %mul3A_169 = arith.muli %scan3A_19, %mul3A_168 : i32
      %add3A_170 = arith.constant 7 : i32
      %add3A_171 = arith.addi %mul3A_169, %add3A_170 : i32
      %mul3A_172 = arith.constant 16 : i32
      %mul3A_173 = arith.muli %add3A_171, %mul3A_172 : i32
      %get3A_174 = arith.index_cast %mul3A_173 : i32 to index
      %get3A_175 = tpu.vector_load %arg4[%get3A_174] {strides = array<i32>} : memref<32768xf32, #tpu.memory_space<vmem>>, vector<16xf32>,
      %bitcast3A_176 = vector.bitcast %get3A_175 : vector<16xf32> to vector<16xi32>
      %ge3A_177 = arith.constant -2147483648 : i32
      %ge3A_178 = vector.broadcast %ge3A_177 : i32 to vector<16xi32>
      %ge3A_179 = arith.cmpi uge, %bitcast3A_176, %ge3A_178 : vector<16xi32>
      %jit3A_180 = arith.constant 0 : i32
      %jit3A_181 = arith.constant 2147483647 : i32
      %broadcast_in_dim3A_182 = vector.broadcast %jit3A_180 : i32 to vector<16xi32>
      %broadcast_in_dim3A_183 = vector.broadcast %jit3A_181 : i32 to vector<16xi32>
      %select_n3A_184 = arith.select %ge3A_179, %broadcast_in_dim3A_182, %broadcast_in_dim3A_183 : vector<16xi1>, vector<16xi32>
      %xor3A_185 = arith.xori %bitcast3A_176, %select_n3A_184 : vector<16xi32>
      %shift_right_logical3A_186 = arith.constant 16 : i32
      %shift_right_logical3A_187 = vector.broadcast %shift_right_logical3A_186 : i32 to vector<16xi32>
      %shift_right_logical3A_188 = arith.shrui %xor3A_185, %shift_right_logical3A_187 : vector<16xi32>
      %bitcast3A_189 = vector.bitcast %shift_right_logical3A_188 : vector<16xi32> to vector<16xi32>
      tpu.vector_store_idx %arg5[%bitcast3A_189], %broadcast_in_dim3A_3 {add = true} : memref<65536xi32, #tpu.memory_space<vmem>>[vector<16xi32>], vector<16xi32>,
      %scan3A_190 = arith.constant 0 : i32
      scf.yield %scan3A_190 : i32
    }
    %scan3A_18 = arith.constant 256 : i32
    "tpu.region"() ({
      %run_scoped3A = tpu.sem_alloc : memref<!tpu.dma_semaphore, #tpu.memory_space<semaphore_mem>>
      %dma_start3A = arith.constant 0 : i32
      %dma_start3A_19 = tpu.memref_slice %arg3[%add3A, %dma_start3A] : memref<32x65536xi32, #tpu.memory_space<hbm>> -> memref<1x65536xi32, #tpu.memory_space<hbm>>
      %dma_start3A_20 = tpu.memref_squeeze %dma_start3A_19 : memref<1x65536xi32, #tpu.memory_space<hbm>> -> memref<65536xi32, #tpu.memory_space<hbm>>
      %dma_start3A_21 = arith.constant 0 : i32
      %dma_start3A_22 = tpu.memref_slice %arg3[%add3A, %dma_start3A_21] : memref<32x65536xi32, #tpu.memory_space<hbm>> -> memref<1x65536xi32, #tpu.memory_space<hbm>>
      %dma_start3A_23 = tpu.memref_squeeze %dma_start3A_22 : memref<1x65536xi32, #tpu.memory_space<hbm>> -> memref<65536xi32, #tpu.memory_space<hbm>>
      tpu.enqueue_dma source(%arg5 : memref<65536xi32, #tpu.memory_space<vmem>>) target(%dma_start3A_23 : memref<65536xi32, #tpu.memory_space<hbm>>) target_semaphore(%run_scoped3A : memref<!tpu.dma_semaphore, #tpu.memory_space<semaphore_mem>>)
      %dma_wait3A = arith.constant 0 : i32
      %dma_wait3A_24 = tpu.memref_slice %arg3[%add3A, %dma_wait3A] : memref<32x65536xi32, #tpu.memory_space<hbm>> -> memref<1x65536xi32, #tpu.memory_space<hbm>>
      %dma_wait3A_25 = tpu.memref_squeeze %dma_wait3A_24 : memref<1x65536xi32, #tpu.memory_space<hbm>> -> memref<65536xi32, #tpu.memory_space<hbm>>
      %dma_wait3A_26 = arith.constant 0 : i32
      %dma_wait3A_27 = tpu.memref_slice %arg3[%add3A, %dma_wait3A_26] : memref<32x65536xi32, #tpu.memory_space<hbm>> -> memref<1x65536xi32, #tpu.memory_space<hbm>>
      %dma_wait3A_28 = tpu.memref_squeeze %dma_wait3A_27 : memref<1x65536xi32, #tpu.memory_space<hbm>> -> memref<65536xi32, #tpu.memory_space<hbm>>
      tpu.wait_dma2 semaphore(%run_scoped3A : memref<!tpu.dma_semaphore, #tpu.memory_space<semaphore_mem>>) src(%arg5 : memref<65536xi32, #tpu.memory_space<vmem>>) dst(%dma_wait3A_28 : memref<65536xi32, #tpu.memory_space<hbm>>)
      tpu.yield
    }) : () -> ()
    return
  }
}

#map = affine_map<(d0, d1) -> (0)>
#map1 = affine_map<(d0, d1) -> (0, 0)>
module attributes {stable_mosaic.version = 14 : i64} {
  func.func @_round2_body(%arg0: i32, %arg1: i32, %arg2: memref<1048576xf32, #tpu.memory_space<hbm>>, %arg3: memref<16xi32, #tpu.memory_space<hbm>>, %arg4: memref<32x65536xi32, #tpu.memory_space<hbm>>, %arg5: memref<32x16xf32, #tpu.memory_space<hbm>>, %arg6: memref<32768xf32, #tpu.memory_space<vmem>>, %arg7: memref<65536xi32, #tpu.memory_space<vmem>>, %arg8: memref<16xi32, #tpu.memory_space<vmem>>, %arg9: memref<16xf32, #tpu.memory_space<vmem>>) attributes {dimension_semantics = [#tpu.dimension_semantics<core_parallel>, #tpu.dimension_semantics<subcore_parallel>], iteration_bounds = array<i64: 2, 16>, scalar_prefetch = 0 : i64, scratch_operands = 4 : i64, tpu.core_type = #tpu.core_type<sc_vector_subcore>, window_params = [{transform_indices = #map}, {transform_indices = #map}, {transform_indices = #map1}, {transform_indices = #map1}]} {
    %mul3A = arith.constant 16 : i32
    %mul3A_0 = arith.muli %arg0, %mul3A : i32
    %add3A = arith.addi %mul3A_0, %arg1 : i32
    %broadcast_in_dim3A = arith.constant 0 : i32
    %broadcast_in_dim3A_1 = vector.broadcast %broadcast_in_dim3A : i32 to vector<16xi32>
    %broadcast_in_dim3A_2 = arith.constant 1 : i32
    %broadcast_in_dim3A_3 = vector.broadcast %broadcast_in_dim3A_2 : i32 to vector<16xi32>
    %broadcast_in_dim3A_4 = arith.constant 0.000000e+00 : f32
    %broadcast_in_dim3A_5 = vector.broadcast %broadcast_in_dim3A_4 : f32 to vector<16xf32>
    %mul3A_6 = arith.constant 32768 : i32
    %mul3A_7 = arith.muli %add3A, %mul3A_6 : i32
    "tpu.region"() ({
      %run_scoped3A = tpu.sem_alloc : memref<!tpu.dma_semaphore, #tpu.memory_space<semaphore_mem>>
      %dma_start3A = tpu.memref_slice %arg2[%mul3A_7] : memref<1048576xf32, #tpu.memory_space<hbm>> -> memref<32768xf32, #tpu.memory_space<hbm>>
      %dma_start3A_22 = tpu.memref_slice %arg2[%mul3A_7] : memref<1048576xf32, #tpu.memory_space<hbm>> -> memref<32768xf32, #tpu.memory_space<hbm>>
      tpu.enqueue_dma source(%dma_start3A_22 : memref<32768xf32, #tpu.memory_space<hbm>>) target(%arg6 : memref<32768xf32, #tpu.memory_space<vmem>>) target_semaphore(%run_scoped3A : memref<!tpu.dma_semaphore, #tpu.memory_space<semaphore_mem>>)
      %dma_wait3A = tpu.memref_slice %arg2[%mul3A_7] : memref<1048576xf32, #tpu.memory_space<hbm>> -> memref<32768xf32, #tpu.memory_space<hbm>>
      %dma_wait3A_23 = tpu.memref_slice %arg2[%mul3A_7] : memref<1048576xf32, #tpu.memory_space<hbm>> -> memref<32768xf32, #tpu.memory_space<hbm>>
      tpu.wait_dma2 semaphore(%run_scoped3A : memref<!tpu.dma_semaphore, #tpu.memory_space<semaphore_mem>>) src(%dma_wait3A_23 : memref<32768xf32, #tpu.memory_space<hbm>>) dst(%arg6 : memref<32768xf32, #tpu.memory_space<vmem>>)
      tpu.yield
    }) : () -> ()
    "tpu.region"() ({
      %run_scoped3A = tpu.sem_alloc : memref<!tpu.dma_semaphore, #tpu.memory_space<semaphore_mem>>
      tpu.enqueue_dma source(%arg3 : memref<16xi32, #tpu.memory_space<hbm>>) target(%arg8 : memref<16xi32, #tpu.memory_space<vmem>>) target_semaphore(%run_scoped3A : memref<!tpu.dma_semaphore, #tpu.memory_space<semaphore_mem>>)
      tpu.wait_dma2 semaphore(%run_scoped3A : memref<!tpu.dma_semaphore, #tpu.memory_space<semaphore_mem>>) src(%arg3 : memref<16xi32, #tpu.memory_space<hbm>>) dst(%arg8 : memref<16xi32, #tpu.memory_space<vmem>>)
      tpu.yield
    }) : () -> ()
    %get3A = arith.constant 0 : index
    %get3A_8 = tpu.vector_load %arg8[%get3A] {strides = array<i32>} : memref<16xi32, #tpu.memory_space<vmem>>, vector<16xi32>,
    %bitcast3A = vector.bitcast %get3A_8 : vector<16xi32> to vector<16xi32>
    %scan3A = arith.constant 0 : i32
    %scan3A_9 = arith.constant 0 : i32
    %scan3A_10 = arith.constant 4096 : i32
    %scan3A_11 = arith.addi %scan3A_9, %scan3A_10 : i32
    %scan3A_12 = arith.constant 1 : i32
    %scan3A_13 = scf.for %scan3A_22 = %scan3A_9 to %scan3A_11 step %scan3A_12 iter_args(%scan3A_23 = %scan3A) -> (i32)  : i32 {
      %mul3A_24 = arith.constant 16 : i32
      %mul3A_25 = arith.muli %scan3A_22, %mul3A_24 : i32
      %swap3A_26 = arith.index_cast %mul3A_25 : i32 to index
      %swap3A_27 = tpu.vector_load %arg7[%swap3A_26] {strides = array<i32>} : memref<65536xi32, #tpu.memory_space<vmem>>, vector<16xi32>,
      tpu.vector_store %arg7[%swap3A_26], %broadcast_in_dim3A_1 {strides = array<i32>} : memref<65536xi32, #tpu.memory_space<vmem>>, vector<16xi32>,
      %scan3A_28 = arith.constant 0 : i32
      scf.yield %scan3A_28 : i32
    }
    %scan3A_14 = arith.constant 4096 : i32
    %scan3A_15 = arith.constant 0 : i32
    %scan3A_16 = arith.constant 256 : i32
    %scan3A_17 = arith.addi %scan3A_15, %scan3A_16 : i32
    %scan3A_18 = arith.constant 1 : i32
    %scan3A_19 = scf.for %scan3A_22 = %scan3A_15 to %scan3A_17 step %scan3A_18 iter_args(%scan3A_23 = %broadcast_in_dim3A_5) -> (vector<16xf32>)  : i32 {
      %mul3A_24 = arith.constant 8 : i32
      %mul3A_25 = arith.muli %scan3A_22, %mul3A_24 : i32
      %add3A_26 = arith.constant 0 : i32
      %add3A_27 = arith.addi %mul3A_25, %add3A_26 : i32
      %mul3A_28 = arith.constant 16 : i32
      %mul3A_29 = arith.muli %add3A_27, %mul3A_28 : i32
      %get3A_30 = arith.index_cast %mul3A_29 : i32 to index
      %get3A_31 = tpu.vector_load %arg6[%get3A_30] {strides = array<i32>} : memref<32768xf32, #tpu.memory_space<vmem>>, vector<16xf32>,
      %bitcast3A_32 = vector.bitcast %get3A_31 : vector<16xf32> to vector<16xi32>
      %ge3A = arith.constant -2147483648 : i32
      %ge3A_33 = vector.broadcast %ge3A : i32 to vector<16xi32>
      %ge3A_34 = arith.cmpi uge, %bitcast3A_32, %ge3A_33 : vector<16xi32>
      %jit3A = arith.constant 0 : i32
      %jit3A_35 = arith.constant 2147483647 : i32
      %broadcast_in_dim3A_36 = vector.broadcast %jit3A : i32 to vector<16xi32>
      %broadcast_in_dim3A_37 = vector.broadcast %jit3A_35 : i32 to vector<16xi32>
      %select_n3A = arith.select %ge3A_34, %broadcast_in_dim3A_36, %broadcast_in_dim3A_37 : vector<16xi1>, vector<16xi32>
      %xor3A = arith.xori %bitcast3A_32, %select_n3A : vector<16xi32>
      %shift_right_logical3A = arith.constant 16 : i32
      %shift_right_logical3A_38 = vector.broadcast %shift_right_logical3A : i32 to vector<16xi32>
      %shift_right_logical3A_39 = arith.shrui %xor3A, %shift_right_logical3A_38 : vector<16xi32>
      %gt3A = arith.cmpi ugt, %shift_right_logical3A_39, %bitcast3A : vector<16xi32>
      %select_n3A_40 = arith.select %gt3A, %get3A_31, %broadcast_in_dim3A_5 : vector<16xi1>, vector<16xf32>
      %add3A_41 = arith.addf %scan3A_23, %select_n3A_40 : vector<16xf32>
      %eq3A = arith.cmpi eq, %shift_right_logical3A_39, %bitcast3A : vector<16xi32>
      %and3A = arith.constant 65535 : i32
      %and3A_42 = vector.broadcast %and3A : i32 to vector<16xi32>
      %and3A_43 = arith.andi %xor3A, %and3A_42 : vector<16xi32>
      %bitcast3A_44 = vector.bitcast %and3A_43 : vector<16xi32> to vector<16xi32>
      tpu.vector_store_idx %arg7[%bitcast3A_44], %broadcast_in_dim3A_3 masked %eq3A {add = true} : memref<65536xi32, #tpu.memory_space<vmem>>[vector<16xi32>], vector<16xi32>, vector<16xi1>
      %mul3A_45 = arith.constant 8 : i32
      %mul3A_46 = arith.muli %scan3A_22, %mul3A_45 : i32
      %add3A_47 = arith.constant 1 : i32
      %add3A_48 = arith.addi %mul3A_46, %add3A_47 : i32
      %mul3A_49 = arith.constant 16 : i32
      %mul3A_50 = arith.muli %add3A_48, %mul3A_49 : i32
      %get3A_51 = arith.index_cast %mul3A_50 : i32 to index
      %get3A_52 = tpu.vector_load %arg6[%get3A_51] {strides = array<i32>} : memref<32768xf32, #tpu.memory_space<vmem>>, vector<16xf32>,
      %bitcast3A_53 = vector.bitcast %get3A_52 : vector<16xf32> to vector<16xi32>
      %ge3A_54 = arith.constant -2147483648 : i32
      %ge3A_55 = vector.broadcast %ge3A_54 : i32 to vector<16xi32>
      %ge3A_56 = arith.cmpi uge, %bitcast3A_53, %ge3A_55 : vector<16xi32>
      %jit3A_57 = arith.constant 0 : i32
      %jit3A_58 = arith.constant 2147483647 : i32
      %broadcast_in_dim3A_59 = vector.broadcast %jit3A_57 : i32 to vector<16xi32>
      %broadcast_in_dim3A_60 = vector.broadcast %jit3A_58 : i32 to vector<16xi32>
      %select_n3A_61 = arith.select %ge3A_56, %broadcast_in_dim3A_59, %broadcast_in_dim3A_60 : vector<16xi1>, vector<16xi32>
      %xor3A_62 = arith.xori %bitcast3A_53, %select_n3A_61 : vector<16xi32>
      %shift_right_logical3A_63 = arith.constant 16 : i32
      %shift_right_logical3A_64 = vector.broadcast %shift_right_logical3A_63 : i32 to vector<16xi32>
      %shift_right_logical3A_65 = arith.shrui %xor3A_62, %shift_right_logical3A_64 : vector<16xi32>
      %gt3A_66 = arith.cmpi ugt, %shift_right_logical3A_65, %bitcast3A : vector<16xi32>
      %select_n3A_67 = arith.select %gt3A_66, %get3A_52, %broadcast_in_dim3A_5 : vector<16xi1>, vector<16xf32>
      %add3A_68 = arith.addf %add3A_41, %select_n3A_67 : vector<16xf32>
      %eq3A_69 = arith.cmpi eq, %shift_right_logical3A_65, %bitcast3A : vector<16xi32>
      %and3A_70 = arith.constant 65535 : i32
      %and3A_71 = vector.broadcast %and3A_70 : i32 to vector<16xi32>
      %and3A_72 = arith.andi %xor3A_62, %and3A_71 : vector<16xi32>
      %bitcast3A_73 = vector.bitcast %and3A_72 : vector<16xi32> to vector<16xi32>
      tpu.vector_store_idx %arg7[%bitcast3A_73], %broadcast_in_dim3A_3 masked %eq3A_69 {add = true} : memref<65536xi32, #tpu.memory_space<vmem>>[vector<16xi32>], vector<16xi32>, vector<16xi1>
      %mul3A_74 = arith.constant 8 : i32
      %mul3A_75 = arith.muli %scan3A_22, %mul3A_74 : i32
      %add3A_76 = arith.constant 2 : i32
      %add3A_77 = arith.addi %mul3A_75, %add3A_76 : i32
      %mul3A_78 = arith.constant 16 : i32
      %mul3A_79 = arith.muli %add3A_77, %mul3A_78 : i32
      %get3A_80 = arith.index_cast %mul3A_79 : i32 to index
      %get3A_81 = tpu.vector_load %arg6[%get3A_80] {strides = array<i32>} : memref<32768xf32, #tpu.memory_space<vmem>>, vector<16xf32>,
      %bitcast3A_82 = vector.bitcast %get3A_81 : vector<16xf32> to vector<16xi32>
      %ge3A_83 = arith.constant -2147483648 : i32
      %ge3A_84 = vector.broadcast %ge3A_83 : i32 to vector<16xi32>
      %ge3A_85 = arith.cmpi uge, %bitcast3A_82, %ge3A_84 : vector<16xi32>
      %jit3A_86 = arith.constant 0 : i32
      %jit3A_87 = arith.constant 2147483647 : i32
      %broadcast_in_dim3A_88 = vector.broadcast %jit3A_86 : i32 to vector<16xi32>
      %broadcast_in_dim3A_89 = vector.broadcast %jit3A_87 : i32 to vector<16xi32>
      %select_n3A_90 = arith.select %ge3A_85, %broadcast_in_dim3A_88, %broadcast_in_dim3A_89 : vector<16xi1>, vector<16xi32>
      %xor3A_91 = arith.xori %bitcast3A_82, %select_n3A_90 : vector<16xi32>
      %shift_right_logical3A_92 = arith.constant 16 : i32
      %shift_right_logical3A_93 = vector.broadcast %shift_right_logical3A_92 : i32 to vector<16xi32>
      %shift_right_logical3A_94 = arith.shrui %xor3A_91, %shift_right_logical3A_93 : vector<16xi32>
      %gt3A_95 = arith.cmpi ugt, %shift_right_logical3A_94, %bitcast3A : vector<16xi32>
      %select_n3A_96 = arith.select %gt3A_95, %get3A_81, %broadcast_in_dim3A_5 : vector<16xi1>, vector<16xf32>
      %add3A_97 = arith.addf %add3A_68, %select_n3A_96 : vector<16xf32>
      %eq3A_98 = arith.cmpi eq, %shift_right_logical3A_94, %bitcast3A : vector<16xi32>
      %and3A_99 = arith.constant 65535 : i32
      %and3A_100 = vector.broadcast %and3A_99 : i32 to vector<16xi32>
      %and3A_101 = arith.andi %xor3A_91, %and3A_100 : vector<16xi32>
      %bitcast3A_102 = vector.bitcast %and3A_101 : vector<16xi32> to vector<16xi32>
      tpu.vector_store_idx %arg7[%bitcast3A_102], %broadcast_in_dim3A_3 masked %eq3A_98 {add = true} : memref<65536xi32, #tpu.memory_space<vmem>>[vector<16xi32>], vector<16xi32>, vector<16xi1>
      %mul3A_103 = arith.constant 8 : i32
      %mul3A_104 = arith.muli %scan3A_22, %mul3A_103 : i32
      %add3A_105 = arith.constant 3 : i32
      %add3A_106 = arith.addi %mul3A_104, %add3A_105 : i32
      %mul3A_107 = arith.constant 16 : i32
      %mul3A_108 = arith.muli %add3A_106, %mul3A_107 : i32
      %get3A_109 = arith.index_cast %mul3A_108 : i32 to index
      %get3A_110 = tpu.vector_load %arg6[%get3A_109] {strides = array<i32>} : memref<32768xf32, #tpu.memory_space<vmem>>, vector<16xf32>,
      %bitcast3A_111 = vector.bitcast %get3A_110 : vector<16xf32> to vector<16xi32>
      %ge3A_112 = arith.constant -2147483648 : i32
      %ge3A_113 = vector.broadcast %ge3A_112 : i32 to vector<16xi32>
      %ge3A_114 = arith.cmpi uge, %bitcast3A_111, %ge3A_113 : vector<16xi32>
      %jit3A_115 = arith.constant 0 : i32
      %jit3A_116 = arith.constant 2147483647 : i32
      %broadcast_in_dim3A_117 = vector.broadcast %jit3A_115 : i32 to vector<16xi32>
      %broadcast_in_dim3A_118 = vector.broadcast %jit3A_116 : i32 to vector<16xi32>
      %select_n3A_119 = arith.select %ge3A_114, %broadcast_in_dim3A_117, %broadcast_in_dim3A_118 : vector<16xi1>, vector<16xi32>
      %xor3A_120 = arith.xori %bitcast3A_111, %select_n3A_119 : vector<16xi32>
      %shift_right_logical3A_121 = arith.constant 16 : i32
      %shift_right_logical3A_122 = vector.broadcast %shift_right_logical3A_121 : i32 to vector<16xi32>
      %shift_right_logical3A_123 = arith.shrui %xor3A_120, %shift_right_logical3A_122 : vector<16xi32>
      %gt3A_124 = arith.cmpi ugt, %shift_right_logical3A_123, %bitcast3A : vector<16xi32>
      %select_n3A_125 = arith.select %gt3A_124, %get3A_110, %broadcast_in_dim3A_5 : vector<16xi1>, vector<16xf32>
      %add3A_126 = arith.addf %add3A_97, %select_n3A_125 : vector<16xf32>
      %eq3A_127 = arith.cmpi eq, %shift_right_logical3A_123, %bitcast3A : vector<16xi32>
      %and3A_128 = arith.constant 65535 : i32
      %and3A_129 = vector.broadcast %and3A_128 : i32 to vector<16xi32>
      %and3A_130 = arith.andi %xor3A_120, %and3A_129 : vector<16xi32>
      %bitcast3A_131 = vector.bitcast %and3A_130 : vector<16xi32> to vector<16xi32>
      tpu.vector_store_idx %arg7[%bitcast3A_131], %broadcast_in_dim3A_3 masked %eq3A_127 {add = true} : memref<65536xi32, #tpu.memory_space<vmem>>[vector<16xi32>], vector<16xi32>, vector<16xi1>
      %mul3A_132 = arith.constant 8 : i32
      %mul3A_133 = arith.muli %scan3A_22, %mul3A_132 : i32
      %add3A_134 = arith.constant 4 : i32
      %add3A_135 = arith.addi %mul3A_133, %add3A_134 : i32
      %mul3A_136 = arith.constant 16 : i32
      %mul3A_137 = arith.muli %add3A_135, %mul3A_136 : i32
      %get3A_138 = arith.index_cast %mul3A_137 : i32 to index
      %get3A_139 = tpu.vector_load %arg6[%get3A_138] {strides = array<i32>} : memref<32768xf32, #tpu.memory_space<vmem>>, vector<16xf32>,
      %bitcast3A_140 = vector.bitcast %get3A_139 : vector<16xf32> to vector<16xi32>
      %ge3A_141 = arith.constant -2147483648 : i32
      %ge3A_142 = vector.broadcast %ge3A_141 : i32 to vector<16xi32>
      %ge3A_143 = arith.cmpi uge, %bitcast3A_140, %ge3A_142 : vector<16xi32>
      %jit3A_144 = arith.constant 0 : i32
      %jit3A_145 = arith.constant 2147483647 : i32
      %broadcast_in_dim3A_146 = vector.broadcast %jit3A_144 : i32 to vector<16xi32>
      %broadcast_in_dim3A_147 = vector.broadcast %jit3A_145 : i32 to vector<16xi32>
      %select_n3A_148 = arith.select %ge3A_143, %broadcast_in_dim3A_146, %broadcast_in_dim3A_147 : vector<16xi1>, vector<16xi32>
      %xor3A_149 = arith.xori %bitcast3A_140, %select_n3A_148 : vector<16xi32>
      %shift_right_logical3A_150 = arith.constant 16 : i32
      %shift_right_logical3A_151 = vector.broadcast %shift_right_logical3A_150 : i32 to vector<16xi32>
      %shift_right_logical3A_152 = arith.shrui %xor3A_149, %shift_right_logical3A_151 : vector<16xi32>
      %gt3A_153 = arith.cmpi ugt, %shift_right_logical3A_152, %bitcast3A : vector<16xi32>
      %select_n3A_154 = arith.select %gt3A_153, %get3A_139, %broadcast_in_dim3A_5 : vector<16xi1>, vector<16xf32>
      %add3A_155 = arith.addf %add3A_126, %select_n3A_154 : vector<16xf32>
      %eq3A_156 = arith.cmpi eq, %shift_right_logical3A_152, %bitcast3A : vector<16xi32>
      %and3A_157 = arith.constant 65535 : i32
      %and3A_158 = vector.broadcast %and3A_157 : i32 to vector<16xi32>
      %and3A_159 = arith.andi %xor3A_149, %and3A_158 : vector<16xi32>
      %bitcast3A_160 = vector.bitcast %and3A_159 : vector<16xi32> to vector<16xi32>
      tpu.vector_store_idx %arg7[%bitcast3A_160], %broadcast_in_dim3A_3 masked %eq3A_156 {add = true} : memref<65536xi32, #tpu.memory_space<vmem>>[vector<16xi32>], vector<16xi32>, vector<16xi1>
      %mul3A_161 = arith.constant 8 : i32
      %mul3A_162 = arith.muli %scan3A_22, %mul3A_161 : i32
      %add3A_163 = arith.constant 5 : i32
      %add3A_164 = arith.addi %mul3A_162, %add3A_163 : i32
      %mul3A_165 = arith.constant 16 : i32
      %mul3A_166 = arith.muli %add3A_164, %mul3A_165 : i32
      %get3A_167 = arith.index_cast %mul3A_166 : i32 to index
      %get3A_168 = tpu.vector_load %arg6[%get3A_167] {strides = array<i32>} : memref<32768xf32, #tpu.memory_space<vmem>>, vector<16xf32>,
      %bitcast3A_169 = vector.bitcast %get3A_168 : vector<16xf32> to vector<16xi32>
      %ge3A_170 = arith.constant -2147483648 : i32
      %ge3A_171 = vector.broadcast %ge3A_170 : i32 to vector<16xi32>
      %ge3A_172 = arith.cmpi uge, %bitcast3A_169, %ge3A_171 : vector<16xi32>
      %jit3A_173 = arith.constant 0 : i32
      %jit3A_174 = arith.constant 2147483647 : i32
      %broadcast_in_dim3A_175 = vector.broadcast %jit3A_173 : i32 to vector<16xi32>
      %broadcast_in_dim3A_176 = vector.broadcast %jit3A_174 : i32 to vector<16xi32>
      %select_n3A_177 = arith.select %ge3A_172, %broadcast_in_dim3A_175, %broadcast_in_dim3A_176 : vector<16xi1>, vector<16xi32>
      %xor3A_178 = arith.xori %bitcast3A_169, %select_n3A_177 : vector<16xi32>
      %shift_right_logical3A_179 = arith.constant 16 : i32
      %shift_right_logical3A_180 = vector.broadcast %shift_right_logical3A_179 : i32 to vector<16xi32>
      %shift_right_logical3A_181 = arith.shrui %xor3A_178, %shift_right_logical3A_180 : vector<16xi32>
      %gt3A_182 = arith.cmpi ugt, %shift_right_logical3A_181, %bitcast3A : vector<16xi32>
      %select_n3A_183 = arith.select %gt3A_182, %get3A_168, %broadcast_in_dim3A_5 : vector<16xi1>, vector<16xf32>
      %add3A_184 = arith.addf %add3A_155, %select_n3A_183 : vector<16xf32>
      %eq3A_185 = arith.cmpi eq, %shift_right_logical3A_181, %bitcast3A : vector<16xi32>
      %and3A_186 = arith.constant 65535 : i32
      %and3A_187 = vector.broadcast %and3A_186 : i32 to vector<16xi32>
      %and3A_188 = arith.andi %xor3A_178, %and3A_187 : vector<16xi32>
      %bitcast3A_189 = vector.bitcast %and3A_188 : vector<16xi32> to vector<16xi32>
      tpu.vector_store_idx %arg7[%bitcast3A_189], %broadcast_in_dim3A_3 masked %eq3A_185 {add = true} : memref<65536xi32, #tpu.memory_space<vmem>>[vector<16xi32>], vector<16xi32>, vector<16xi1>
      %mul3A_190 = arith.constant 8 : i32
      %mul3A_191 = arith.muli %scan3A_22, %mul3A_190 : i32
      %add3A_192 = arith.constant 6 : i32
      %add3A_193 = arith.addi %mul3A_191, %add3A_192 : i32
      %mul3A_194 = arith.constant 16 : i32
      %mul3A_195 = arith.muli %add3A_193, %mul3A_194 : i32
      %get3A_196 = arith.index_cast %mul3A_195 : i32 to index
      %get3A_197 = tpu.vector_load %arg6[%get3A_196] {strides = array<i32>} : memref<32768xf32, #tpu.memory_space<vmem>>, vector<16xf32>,
      %bitcast3A_198 = vector.bitcast %get3A_197 : vector<16xf32> to vector<16xi32>
      %ge3A_199 = arith.constant -2147483648 : i32
      %ge3A_200 = vector.broadcast %ge3A_199 : i32 to vector<16xi32>
      %ge3A_201 = arith.cmpi uge, %bitcast3A_198, %ge3A_200 : vector<16xi32>
      %jit3A_202 = arith.constant 0 : i32
      %jit3A_203 = arith.constant 2147483647 : i32
      %broadcast_in_dim3A_204 = vector.broadcast %jit3A_202 : i32 to vector<16xi32>
      %broadcast_in_dim3A_205 = vector.broadcast %jit3A_203 : i32 to vector<16xi32>
      %select_n3A_206 = arith.select %ge3A_201, %broadcast_in_dim3A_204, %broadcast_in_dim3A_205 : vector<16xi1>, vector<16xi32>
      %xor3A_207 = arith.xori %bitcast3A_198, %select_n3A_206 : vector<16xi32>
      %shift_right_logical3A_208 = arith.constant 16 : i32
      %shift_right_logical3A_209 = vector.broadcast %shift_right_logical3A_208 : i32 to vector<16xi32>
      %shift_right_logical3A_210 = arith.shrui %xor3A_207, %shift_right_logical3A_209 : vector<16xi32>
      %gt3A_211 = arith.cmpi ugt, %shift_right_logical3A_210, %bitcast3A : vector<16xi32>
      %select_n3A_212 = arith.select %gt3A_211, %get3A_197, %broadcast_in_dim3A_5 : vector<16xi1>, vector<16xf32>
      %add3A_213 = arith.addf %add3A_184, %select_n3A_212 : vector<16xf32>
      %eq3A_214 = arith.cmpi eq, %shift_right_logical3A_210, %bitcast3A : vector<16xi32>
      %and3A_215 = arith.constant 65535 : i32
      %and3A_216 = vector.broadcast %and3A_215 : i32 to vector<16xi32>
      %and3A_217 = arith.andi %xor3A_207, %and3A_216 : vector<16xi32>
      %bitcast3A_218 = vector.bitcast %and3A_217 : vector<16xi32> to vector<16xi32>
      tpu.vector_store_idx %arg7[%bitcast3A_218], %broadcast_in_dim3A_3 masked %eq3A_214 {add = true} : memref<65536xi32, #tpu.memory_space<vmem>>[vector<16xi32>], vector<16xi32>, vector<16xi1>
      %mul3A_219 = arith.constant 8 : i32
      %mul3A_220 = arith.muli %scan3A_22, %mul3A_219 : i32
      %add3A_221 = arith.constant 7 : i32
      %add3A_222 = arith.addi %mul3A_220, %add3A_221 : i32
      %mul3A_223 = arith.constant 16 : i32
      %mul3A_224 = arith.muli %add3A_222, %mul3A_223 : i32
      %get3A_225 = arith.index_cast %mul3A_224 : i32 to index
      %get3A_226 = tpu.vector_load %arg6[%get3A_225] {strides = array<i32>} : memref<32768xf32, #tpu.memory_space<vmem>>, vector<16xf32>,
      %bitcast3A_227 = vector.bitcast %get3A_226 : vector<16xf32> to vector<16xi32>
      %ge3A_228 = arith.constant -2147483648 : i32
      %ge3A_229 = vector.broadcast %ge3A_228 : i32 to vector<16xi32>
      %ge3A_230 = arith.cmpi uge, %bitcast3A_227, %ge3A_229 : vector<16xi32>
      %jit3A_231 = arith.constant 0 : i32
      %jit3A_232 = arith.constant 2147483647 : i32
      %broadcast_in_dim3A_233 = vector.broadcast %jit3A_231 : i32 to vector<16xi32>
      %broadcast_in_dim3A_234 = vector.broadcast %jit3A_232 : i32 to vector<16xi32>
      %select_n3A_235 = arith.select %ge3A_230, %broadcast_in_dim3A_233, %broadcast_in_dim3A_234 : vector<16xi1>, vector<16xi32>
      %xor3A_236 = arith.xori %bitcast3A_227, %select_n3A_235 : vector<16xi32>
      %shift_right_logical3A_237 = arith.constant 16 : i32
      %shift_right_logical3A_238 = vector.broadcast %shift_right_logical3A_237 : i32 to vector<16xi32>
      %shift_right_logical3A_239 = arith.shrui %xor3A_236, %shift_right_logical3A_238 : vector<16xi32>
      %gt3A_240 = arith.cmpi ugt, %shift_right_logical3A_239, %bitcast3A : vector<16xi32>
      %select_n3A_241 = arith.select %gt3A_240, %get3A_226, %broadcast_in_dim3A_5 : vector<16xi1>, vector<16xf32>
      %add3A_242 = arith.addf %add3A_213, %select_n3A_241 : vector<16xf32>
      %eq3A_243 = arith.cmpi eq, %shift_right_logical3A_239, %bitcast3A : vector<16xi32>
      %and3A_244 = arith.constant 65535 : i32
      %and3A_245 = vector.broadcast %and3A_244 : i32 to vector<16xi32>
      %and3A_246 = arith.andi %xor3A_236, %and3A_245 : vector<16xi32>
      %bitcast3A_247 = vector.bitcast %and3A_246 : vector<16xi32> to vector<16xi32>
      tpu.vector_store_idx %arg7[%bitcast3A_247], %broadcast_in_dim3A_3 masked %eq3A_243 {add = true} : memref<65536xi32, #tpu.memory_space<vmem>>[vector<16xi32>], vector<16xi32>, vector<16xi1>
      scf.yield %add3A_242 : vector<16xf32>
    }
    %scan3A_20 = arith.constant 256 : i32
    "tpu.region"() ({
      %run_scoped3A = tpu.sem_alloc : memref<!tpu.dma_semaphore, #tpu.memory_space<semaphore_mem>>
      %dma_start3A = arith.constant 0 : i32
      %dma_start3A_22 = tpu.memref_slice %arg4[%add3A, %dma_start3A] : memref<32x65536xi32, #tpu.memory_space<hbm>> -> memref<1x65536xi32, #tpu.memory_space<hbm>>
      %dma_start3A_23 = tpu.memref_squeeze %dma_start3A_22 : memref<1x65536xi32, #tpu.memory_space<hbm>> -> memref<65536xi32, #tpu.memory_space<hbm>>
      %dma_start3A_24 = arith.constant 0 : i32
      %dma_start3A_25 = tpu.memref_slice %arg4[%add3A, %dma_start3A_24] : memref<32x65536xi32, #tpu.memory_space<hbm>> -> memref<1x65536xi32, #tpu.memory_space<hbm>>
      %dma_start3A_26 = tpu.memref_squeeze %dma_start3A_25 : memref<1x65536xi32, #tpu.memory_space<hbm>> -> memref<65536xi32, #tpu.memory_space<hbm>>
      tpu.enqueue_dma source(%arg7 : memref<65536xi32, #tpu.memory_space<vmem>>) target(%dma_start3A_26 : memref<65536xi32, #tpu.memory_space<hbm>>) target_semaphore(%run_scoped3A : memref<!tpu.dma_semaphore, #tpu.memory_space<semaphore_mem>>)
      %dma_wait3A = arith.constant 0 : i32
      %dma_wait3A_27 = tpu.memref_slice %arg4[%add3A, %dma_wait3A] : memref<32x65536xi32, #tpu.memory_space<hbm>> -> memref<1x65536xi32, #tpu.memory_space<hbm>>
      %dma_wait3A_28 = tpu.memref_squeeze %dma_wait3A_27 : memref<1x65536xi32, #tpu.memory_space<hbm>> -> memref<65536xi32, #tpu.memory_space<hbm>>
      %dma_wait3A_29 = arith.constant 0 : i32
      %dma_wait3A_30 = tpu.memref_slice %arg4[%add3A, %dma_wait3A_29] : memref<32x65536xi32, #tpu.memory_space<hbm>> -> memref<1x65536xi32, #tpu.memory_space<hbm>>
      %dma_wait3A_31 = tpu.memref_squeeze %dma_wait3A_30 : memref<1x65536xi32, #tpu.memory_space<hbm>> -> memref<65536xi32, #tpu.memory_space<hbm>>
      tpu.wait_dma2 semaphore(%run_scoped3A : memref<!tpu.dma_semaphore, #tpu.memory_space<semaphore_mem>>) src(%arg7 : memref<65536xi32, #tpu.memory_space<vmem>>) dst(%dma_wait3A_31 : memref<65536xi32, #tpu.memory_space<hbm>>)
      tpu.yield
    }) : () -> ()
    %swap3A = arith.constant 0 : index
    %swap3A_21 = tpu.vector_load %arg9[%swap3A] {strides = array<i32>} : memref<16xf32, #tpu.memory_space<vmem>>, vector<16xf32>,
    tpu.vector_store %arg9[%swap3A], %scan3A_19 {strides = array<i32>} : memref<16xf32, #tpu.memory_space<vmem>>, vector<16xf32>,
    "tpu.region"() ({
      %run_scoped3A = tpu.sem_alloc : memref<!tpu.dma_semaphore, #tpu.memory_space<semaphore_mem>>
      %dma_start3A = arith.constant 0 : i32
      %dma_start3A_22 = tpu.memref_slice %arg5[%add3A, %dma_start3A] : memref<32x16xf32, #tpu.memory_space<hbm>> -> memref<1x16xf32, #tpu.memory_space<hbm>>
      %dma_start3A_23 = tpu.memref_squeeze %dma_start3A_22 : memref<1x16xf32, #tpu.memory_space<hbm>> -> memref<16xf32, #tpu.memory_space<hbm>>
      %dma_start3A_24 = arith.constant 0 : i32
      %dma_start3A_25 = tpu.memref_slice %arg5[%add3A, %dma_start3A_24] : memref<32x16xf32, #tpu.memory_space<hbm>> -> memref<1x16xf32, #tpu.memory_space<hbm>>
      %dma_start3A_26 = tpu.memref_squeeze %dma_start3A_25 : memref<1x16xf32, #tpu.memory_space<hbm>> -> memref<16xf32, #tpu.memory_space<hbm>>
      tpu.enqueue_dma source(%arg9 : memref<16xf32, #tpu.memory_space<vmem>>) target(%dma_start3A_26 : memref<16xf32, #tpu.memory_space<hbm>>) target_semaphore(%run_scoped3A : memref<!tpu.dma_semaphore, #tpu.memory_space<semaphore_mem>>)
      %dma_wait3A = arith.constant 0 : i32
      %dma_wait3A_27 = tpu.memref_slice %arg5[%add3A, %dma_wait3A] : memref<32x16xf32, #tpu.memory_space<hbm>> -> memref<1x16xf32, #tpu.memory_space<hbm>>
      %dma_wait3A_28 = tpu.memref_squeeze %dma_wait3A_27 : memref<1x16xf32, #tpu.memory_space<hbm>> -> memref<16xf32, #tpu.memory_space<hbm>>
      %dma_wait3A_29 = arith.constant 0 : i32
      %dma_wait3A_30 = tpu.memref_slice %arg5[%add3A, %dma_wait3A_29] : memref<32x16xf32, #tpu.memory_space<hbm>> -> memref<1x16xf32, #tpu.memory_space<hbm>>
      %dma_wait3A_31 = tpu.memref_squeeze %dma_wait3A_30 : memref<1x16xf32, #tpu.memory_space<hbm>> -> memref<16xf32, #tpu.memory_space<hbm>>
      tpu.wait_dma2 semaphore(%run_scoped3A : memref<!tpu.dma_semaphore, #tpu.memory_space<semaphore_mem>>) src(%arg9 : memref<16xf32, #tpu.memory_space<vmem>>) dst(%dma_wait3A_31 : memref<16xf32, #tpu.memory_space<hbm>>)
      tpu.yield
    }) : () -> ()
    return
  }
}

</mosaic_0001>

<sc_bundles>
// kernel: _es_pallas.4.cloned.1.call-start
scs
__scs_entry_jumppad:
0x0: {  	(pc) =	sbr.rel $0x88, $3  }
0x1: {  	(tag) =	ssettag $0x0;
	lr =	simm.s32 $0x1  }
0x2: {  	[smem:$0x3FA0] =	sst lr;
	_ =	strace $0xD0000000  }
0x3: {  	_ = 	snop  }
0x4: {  	_ = 	snop  }
0x5: {  	_ = 	snop  }
0x6: {  	_ = 	snop  }
0x7: {  	_ = 	snop  }
__scs_overlays_trampoline_lowered:
0x8: {  	[smem:$0x3FAF] =	sst s0  }
0x9: {  	[smem:$0x3FB0] =	sst s1  }
0xa: {  	[smem:$0x3FB1] =	sst s2  }
0xb: {  	[smem:$0x3FB2] =	sst s3  }
0xc: {  	[smem:$0x3FB3] =	sst s4  }
0xd: {  	[smem:$0x3FB4] =	sst s5  }
0xe: {  	[smem:$0x3FB5] =	sst s6  }
0xf: {  	[smem:$0x3FB6] =	sst s7  }
0x10: {  	[smem:$0x3FB7] =	sst s8  }
0x11: {  	[smem:$0x3FB8] =	sst s9;
	s0 =	simm.s32 @!p0 $0x0  }
0x12: {  	s1 =	sld [smem:$0x3F9E];
	s0 =	simm.s32 @p0 $0x1  }
0x13: {  	[smem:$0x3FB9] =	sst s0;
	s0 =	simm.s32 @!p1 $0x0  }
0x14: {  	s2 =	sld [smem:$0x3F9D];
	s0 =	simm.s32 @p1 $0x1  }
0x15: {  	[smem:$0x3FBA] =	sst s0;
	s0 =	simm.s32 @!p2 $0x0  }
0x16: {  	s3 =	sld [smem:$0x3FDB];
	s0 =	simm.s32 @p2 $0x1  }
0x17: {  	s4 =	simm.s32 $0x1BF5;
	[smem:$0x3FBC] =	sst s0  }
0x18: {  	s0 =	sld [smem:$0x3F9F];
	_ =	swait.ge [sflag:s4], $0x0  }
0x19: {  	s7 =	sld [smem:$0x3FA0]  }
0x1a: {  	s8 =	sadd.s32 $0xFFFFE003, lr  }
0x1b: {  	s9 =	sadd.s32 $0xFFFFFEF7, lr;
	s5 =	simm.s32 $0xFFFFFFFF;
	p2 =	slt.u32 s8, $0xFFFFF086  }
0x1c: {  	p1 =	slt.u32 s9, $0xF7A;
	s5 =	simm.s32 @!p2 $0x0  }
0x1d: {  	s5 =	simm.s32 @p1 $0x1;
	p0 =	seq.s32 s7, s2  }
0x1e: {  	s7 =	smul.u32 @!p0 $0xF7A, s2;
	p2 =	seq.s32 @!p0 s5, $0x0  }
0x1f: {  	s9 =	smul.u32 $0xF7A, s1;
	s8 =	simm.s32 @!p0 $0x1BF5;
	p2 =	por !p2, p0  }
0x20: {  	[sflag:s8] =	ssyncset.s32 @!p0 $0xFFFFF086;
	s6 =	sadd.s32 @!p0 s3, s7;
	s7 =	simm.s32 @!p0 $0x108  }
0x21: {  	s3 =	sadd.s32 s3, s9;
	s6 =	sadd.s32 @!p0 $0x88, s6;
	s7 =	simm.s32 @p2 $0x1082  }
0x22: {  	[simem:s7], [sflag:s8] =	dma.local @!p0 [hbm:s6], $0xF7A  }
0x23: {  	s9 =	sor.u32 $0xD0000000, s2;
	s6 =	simm.s32 $0x108;
	_ =	swait.ge @!p0 [sflag:s8], $0x0  }
0x24: {  	s3 =	sadd.s32 $0x88, s3;
	s6 =	simm.s32 @!p1 $0x1082;
	[sflag:s4] =	ssyncset.s32 $0xFFFFF086  }
0x25: {  	[simem:s6], [sflag:s4] =	dma.local [hbm:s3], $0xF7A  }
0x26: {  	[smem:$0x3FA0] =	sst s1;
	(tag) =	ssettag s2;
	_ =	strace s9  }
0x27: {  	s1 =	sld [smem:$0x3FB0]  }
0x28: {  	s2 =	sld [smem:$0x3FB1]  }
0x29: {  	s4 =	sld [smem:$0x3FB3]  }
0x2a: {  	p0 =	seq.s32 s5, $0x0;
	s5 =	sld [smem:$0x3FB4]  }
0x2b: {  	s6 =	sld [smem:$0x3FB5]  }
0x2c: {  	s7 =	sld [smem:$0x3FB6]  }
0x2d: {  	s3 =	simm.s32 $0x108;
	s8 =	sld [smem:$0x3FB7]  }
0x2e: {  	s3 =	simm.s32 @!p0 $0x1082;
	s9 =	sld [smem:$0x3FB8]  }
0x2f: {  	lr =	sadd.s32 s0, s3;
	s0 =	sld [smem:$0x3FAF]  }
0x30: {  	s3 =	sld [smem:$0x3FB2]  }
0x31: {  	[smem:$0x3FBB] =	sst s10  }
0x32: {  	s10 =	sld [smem:$0x3FB9];
	_ =	sdelay $0x3  }
0x33: {  	p0 =	seq.s32 s10, $0x1;
	s10 =	sld [smem:$0x3FBB];
	_ =	sdelay $0x3  }
0x34: {  	[smem:$0x3FBB] =	sst s10  }
0x35: {  	s10 =	sld [smem:$0x3FBA];
	_ =	sdelay $0x3  }
0x36: {  	p1 =	seq.s32 s10, $0x1;
	s10 =	sld [smem:$0x3FBB];
	_ =	sdelay $0x3  }
0x37: {  	[smem:$0x3FBB] =	sst s10  }
0x38: {  	s10 =	sld [smem:$0x3FBC]  }
0x39: {  	_ = 	snop;
	(pc) =	sbr.ind lr, $3  }
0x3a: {  	_ = 	snop  }
0x3b: {  	_ = 	snop  }
0x3c: {  	p2 =	seq.s32 s10, $0x1;
	s10 =	sld [smem:$0x3FBB]  }
0x3d: {  	_ =	shalt  }
0x3e: {  	_ =	shalt  }
0x3f: {  	_ =	shalt  }
0x40: {  	_ =	shalt  }
0x41: {  	_ =	shalt  }
0x42: {  	_ =	shalt  }
0x43: {  	_ =	shalt  }
0x44: {  	_ =	shalt  }
0x45: {  	_ =	shalt  }
0x46: {  	_ =	shalt  }
0x47: {  	_ =	shalt  }
0x48: {  	_ =	shalt  }
0x49: {  	_ =	shalt  }
0x4a: {  	_ =	shalt  }
0x4b: {  	_ =	shalt  }
0x4c: {  	_ =	shalt  }
0x4d: {  	_ =	shalt  }
0x4e: {  	_ =	shalt  }
0x4f: {  	_ =	shalt  }
0x50: {  	_ =	shalt  }
0x51: {  	_ =	shalt  }
0x52: {  	_ =	shalt  }
0x53: {  	_ =	shalt  }
0x54: {  	_ =	shalt  }
0x55: {  	_ =	shalt  }
0x56: {  	_ =	shalt  }
0x57: {  	_ =	shalt  }
0x58: {  	_ =	shalt  }
0x59: {  	_ =	shalt  }
0x5a: {  	_ =	shalt  }
0x5b: {  	_ =	shalt  }
0x5c: {  	_ =	shalt  }
0x5d: {  	_ =	shalt  }
0x5e: {  	_ =	shalt  }
0x5f: {  	_ =	shalt  }
0x60: {  	_ =	shalt  }
0x61: {  	_ =	shalt  }
0x62: {  	_ =	shalt  }
0x63: {  	_ =	shalt  }
0x64: {  	_ =	shalt  }
0x65: {  	_ =	shalt  }
0x66: {  	_ =	shalt  }
0x67: {  	_ =	shalt  }
0x68: {  	_ =	shalt  }
0x69: {  	_ =	shalt  }
0x6a: {  	_ =	shalt  }
0x6b: {  	_ =	shalt  }
0x6c: {  	_ =	shalt  }
0x6d: {  	_ =	shalt  }
0x6e: {  	_ =	shalt  }
0x6f: {  	_ =	shalt  }
0x70: {  	_ =	shalt  }
0x71: {  	_ =	shalt  }
0x72: {  	_ =	shalt  }
0x73: {  	_ =	shalt  }
0x74: {  	_ =	shalt  }
0x75: {  	_ =	shalt  }
0x76: {  	_ =	shalt  }
0x77: {  	_ =	shalt  }
0x78: {  	_ =	shalt  }
0x79: {  	_ =	shalt  }
0x7a: {  	_ =	shalt  }
0x7b: {  	_ =	shalt  }
0x7c: {  	_ =	shalt  }
0x7d: {  	_ =	shalt  }
0x7e: {  	_ =	shalt  }
0x7f: {  	_ =	shalt  }
0x80: {  	_ =	shalt  }
0x81: {  	_ =	shalt  }
0x82: {  	_ =	shalt  }
0x83: {  	_ =	shalt  }
0x84: {  	_ =	shalt  }
0x85: {  	_ =	shalt  }
0x86: {  	_ =	shalt  }
0x87: {  	_ =	shalt  }
.Lfunc_end0:
.L_simem_size_0:
called_computation_lowered:
.L_overlay_start_0:
0x88: {  	s2 =	sld [smem:$0x3FD9]  }
0x89: {  	s3 =	sld [smem:$0x3FFE];
	_ =	sdelay $0x1  }
0x8a: {  	s1 =	srdreg.scid  }
0x8b: {  	s0 =	sand.u32 $0x1, s1  }
0x8c: {  	s17 =	sshll.u32 s0, $0xA;
	s2 =	sadd.s32 s3, s2  }
0x8d: {  	s2 =	sadd.s32 s2, s17  }
0x8e: {  	[smem:$0x3FC7] =	sst s2  }
0x8f: {  	_ = 	snop  }
0x90: {  	s2 =	sld [smem:$0x3FC9];
	(tm) =	ssettm $0x1  }
0x91: {  	s18 =	sld [smem:$0x3FFB];
	_ =	sdelay $0x3  }
0x92: {  	_ =	strace s18  }
0x93: {  	s3 =	sld [smem:$0x3FFC];
	_ =	sdelay $0x3  }
0x94: {  	_ =	strace s3  }
0x95: {  	s3 =	sld [smem:$0x3FFD];
	_ =	sdelay $0x3  }
0x96: {  	_ =	strace s3  }
0x97: {  	_ =	strace $0x8FFFFFFF  }
0x98: {  	s19 =	sld [smem:$0x3FDB];
	_ =	sdelay $0x1  }
0x99: {  	s4 =	simm.s32 $_scs_section_size  }
0x9a: {  	s5 =	simm.s32 $_size__tile_overlayer_lowered;
	s6 =	simm.s32 $_tile_overlayer_lowered  }
0x9b: {  	s22 =	simm.s32 $0x1BFF;
	s21 =	sshll.u32 s6, $0x1;
	s3 =	sadd.s32 s4, s19  }
0x9c: {  	s7 =	simm.s32 $0x0;
	s20 =	sshll.u32 s5, $0x1;
	s5 =	sadd.s32 s21, s3  }
0x9d: {  	[timem:s7], [sflag:s22] =	dma.local [hbm:s5], s20  }
0x9e: {  	_ =	swait.ge [sflag:s22], s20  }
0x9f: {  	s4 =	ssub.s32 $0x0, s20;
	[sflag:s22] =	ssyncset.done $0x0  }
0xa0: {  	[sflag:s22] =	ssyncadd.s32 s4;
	_ =	sdelay $0x1  }
0xa1: {  	s23 =	simm.s32 $0x1B8B  }
0xa2: {  	_ =	swait.ge [sflag:s23], $0x1  }
0xa3: {  	[sflag:s23] =	ssyncset.done $0x0  }
0xa4: {  	s25 =	simm.s32 $0x1B8E;
	s24 =	sld [smem:$0x3FFE];
	[sflag:s23] =	ssyncadd.s32 $0xFFFFFFFF  }
0xa5: {  	s26 =	simm.s32 $execute0_lowered;
	[smem:$0x3FD2] =	sst s25  }
0xa6: {  	s5 =	sshll.u32 s26, $0x1;
	_ =	strace $0x80000046;
	[dreg:$0x1] =	wrdreg $0xFFFFFFFF  }
0xa7: {  	s28 =	simm.s32 $_size_execute0_lowered;
	s3 =	sadd.s32 s3, s5;
	[dreg:$0x0] =	wrdreg $0x0  }
0xa8: {  	s5 =	sshll.u32 s28, $0x1;
	[dreg:$0x2] =	wrdreg s3  }
0xa9: {  	[dreg:$0x3] =	wrdreg s5  }
0xaa: {  	[dreg:$0x4] =	wrdreg $0xC0  }
0xab: {  	_ =	task [dreg:s7], $0x5FFFF  }
0xac: {  	[dreg:$0x1] =	wrdreg $0xFFFFFFFF  }
0xad: {  	[dreg:$0x0] =	wrdreg $0x60  }
0xae: {  	[dreg:$0x2] =	wrdreg s2  }
0xaf: {  	[dreg:$0x3] =	wrdreg s24  }
0xb0: {  	[dreg:$0x4] =	wrdreg $0x9  }
0xb1: {  	_ =	task.clear_ibuf [dreg:s7], $0x5FFFF;
	_ =	strace $0x90000046  }
0xb2: {  	s29 =	simm.s32 $0x9;
	_ =	strace $0x80000048  }
0xb3: {  	_ =	swait.ge [sflag:s29], $0x1  }
0xb4: {  	[sflag:s29] =	ssyncadd.s32 $0xFFFFFFFF  }
0xb5: {  	_ =	strace $0x90000048  }
0xb6: {  	_ =	sfence  }
0xb7: {  	s30 =	sld [smem:$0x0];
	_ =	sdelay $0x2  }
0xb8: {  	s31 =	sshll.u32 s1, $0xD;
	s1 =	sshrl.u32 s1, $0x2  }
0xb9: {  	s3 =	sand.u32 $0x4000, s31;
	s1 =	sadd.s32 s1, s30  }
0xba: {  	s0 =	sor.u32 s3, s0;
	s1 =	sshll.u32 s1, $0x11  }
0xbb: {  	s0 =	sor.u32 s1, s0  }
0xbc: {  	s0 =	sadd.s32 $0x8F2B, s0  }
0xbd: {  	[sflag:s0] =	ssyncadd.remote.s32 $0x1  }
0xbe: {  	_ =	sfence.sel $0xFFFF  }
0xbf: {  	[dreg:$0x0] =	wrdreg $0xFFFFFFFF;
	(pc) =	sbr.abs _section_cstart, $3  }
0xc0: {  	[dreg:$0x1] =	wrdreg $0xFFFFFFFF  }
0xc1: {  	_ =	task.clear_ibuf [dreg:s7], $0x2FFFF;
	_ =	strace $0x9FFFFFFF  }
0xc2: {  	(tm) =	ssettm $0x7FFFFFFF  }
0xc3: {  	_ =	shalt  }
tec
execute0_lowered:
.L_overlay_start_1:
0x0: {  	(tag) =	ssettag $0x1  }
0x1: {  	s3 =	rddreg [dreg:$0x0]  }
0x2: {  	s4 =	rddreg [dreg:$0x1]  }
0x3: {  	s0 =	rddreg [dreg:$0x2];
	s1 =	simm.s32 $0x0  }
0x4: {  	s2 =	srdreg.scid;
	s10 =	simm.s32 $0x0;
	[smem:$0x7FF] =	sst s1  }
0x5: {  	s5 =	sand.u32 $0x1, s2;
	s2 =	stileid.u32;
	_ =	strace $0x80000047  }
0x6: {  	s6 =	sshll.u32 s5, $0x4;
	s5 =	ssub.s32 $0x2, s5;
	s7 =	sshll.u32 s2, $0x4  }
0x7: {  	s6 =	sor.u32 s2, s6;
	s8 =	sshrl.u32 s5, $0x1;
	s7 =	sand.u32 $0x70, s7  }
0x8: {  	s9 =	sshll.u32 s6, $0xD;
	s6 =	sshll.u32 s6, $0xC;
	s4 =	sadd.s32 s4, s7  }
0x9: {  	s5 =	ssub.s32 s5, s8;
	s7 =	simm.s32 $0x8000;
	s8 =	simm.s32 $0x80  }
0xa: {  	s9 =	sand.u32 $0x30000, s9;
	s3 =	sadd.s32 s3, s6;
	s5 =	smax.u32 s5, $0x1  }
0xb: {  	v0 =	vimm.s32 $0x0;
	v1 =	vimm.s32 $0x7FFF0000;
	v2 =	vimm.s32 $0x1;
	s6 =	simm.s32 $0x1;
	s4 =	sadd.s32 s9, s4;
	s9 =	simm.s32 $0x400  }
.LBB2_1:
0xc: {  	[tilespmem:s1], [sflag:$0x1] =	stream.linear.gather [hbm4b:s3+s1], $0x8000, $0x38;
	[tilespmem:$0x18000] =	vst v63  }
0xd: {  	_ =	swait.ge [sflag:s6], $0x8000  }
0xe: {  	[sflag:s6] =	ssyncset.done $0x0  }
0xf: {  	s11 =	simm.s32 $0x0;
	[sflag:s6] =	ssyncadd.s32 $0xFFFF8000  }
.LBB2_2:
0x10: {  	p0 =	sne.s32 s11, $0x3FFC0  }
.Ltmp0:
0x11: {  	_ = 	snop;
	(pc) =	sbr.rel @p0 .LBB2_2-.Ltmp0, $3  }
0x12: {  	_ =	sdelay $0x1  }
0x13: {  	s12 =	sshra.s32 s11, $0x2  }
0x14: {  	s11 =	sadd.s32 $0x40, s11;
	[tilespmem:s12+$0x8000] =	vst v0  }
0x15: {  	s11 =	simm.s32 $0x0  }
.LBB2_4:
0x16: {  	s12 =	sshra.s32 s11, $0x2  }
0x17: {  	v3 =	vld [tilespmem:s12+$0x0];
	_ =	sdelay $0x4  }
0x18: {  	vm0 =	vlt.s32 v3, $0x0  }
0x19: {  	v4 =	vsel vm0, $0x0, v1  }
0x1a: {  	v3 =	vxor.u32 v3, v4  }
0x1b: {  	v3 =	vshrl.u32 v3, $0x10;
	_ =	sdelay $0x4  }
0x1c: {  	[tilespmem:v3+s7+$0x0] =	vst.idx.add.s32.msk $0xffff, v2  }
0x1d: {  	v3 =	vld [tilespmem:s12+$0x10];
	_ =	sdelay $0x4  }
0x1e: {  	vm9 =	vlt.s32 v3, $0x0  }
0x1f: {  	v57 =	vsel vm9, $0x0, v1  }
0x20: {  	v3 =	vxor.u32 v3, v57  }
0x21: {  	v3 =	vshrl.u32 v3, $0x10;
	_ =	sdelay $0x4  }
0x22: {  	[tilespmem:v3+s7+$0x0] =	vst.idx.add.s32.msk $0xffff, v2  }
0x23: {  	v3 =	vld [tilespmem:s12+$0x20];
	_ =	sdelay $0x4  }
0x24: {  	vm10 =	vlt.s32 v3, $0x0  }
0x25: {  	v58 =	vsel vm10, $0x0, v1  }
0x26: {  	v3 =	vxor.u32 v3, v58  }
0x27: {  	v3 =	vshrl.u32 v3, $0x10;
	_ =	sdelay $0x4  }
0x28: {  	[tilespmem:v3+s7+$0x0] =	vst.idx.add.s32.msk $0xffff, v2  }
0x29: {  	v3 =	vld [tilespmem:s12+$0x30];
	_ =	sdelay $0x4  }
0x2a: {  	vm11 =	vlt.s32 v3, $0x0  }
0x2b: {  	v59 =	vsel vm11, $0x0, v1  }
0x2c: {  	v3 =	vxor.u32 v3, v59  }
0x2d: {  	v3 =	vshrl.u32 v3, $0x10;
	_ =	sdelay $0x4  }
0x2e: {  	[tilespmem:v3+s7+$0x0] =	vst.idx.add.s32.msk $0xffff, v2  }
0x2f: {  	v3 =	vld [tilespmem:s12+$0x40];
	_ =	sdelay $0x4  }
0x30: {  	vm12 =	vlt.s32 v3, $0x0  }
0x31: {  	v60 =	vsel vm12, $0x0, v1  }
0x32: {  	v3 =	vxor.u32 v3, v60  }
0x33: {  	v3 =	vshrl.u32 v3, $0x10;
	_ =	sdelay $0x4  }
0x34: {  	[tilespmem:v3+s7+$0x0] =	vst.idx.add.s32.msk $0xffff, v2  }
0x35: {  	v3 =	vld [tilespmem:s12+$0x50];
	_ =	sdelay $0x4  }
0x36: {  	vm13 =	vlt.s32 v3, $0x0  }
0x37: {  	v61 =	vsel vm13, $0x0, v1  }
0x38: {  	v3 =	vxor.u32 v3, v61  }
0x39: {  	v3 =	vshrl.u32 v3, $0x10;
	_ =	sdelay $0x4  }
0x3a: {  	[tilespmem:v3+s7+$0x0] =	vst.idx.add.s32.msk $0xffff, v2  }
0x3b: {  	v3 =	vld [tilespmem:s12+$0x60];
	_ =	sdelay $0x4  }
0x3c: {  	vm14 =	vlt.s32 v3, $0x0  }
0x3d: {  	v62 =	vsel vm14, $0x0, v1  }
0x3e: {  	v3 =	vxor.u32 v3, v62  }
0x3f: {  	v3 =	vshrl.u32 v3, $0x10;
	_ =	sdelay $0x4  }
0x40: {  	[tilespmem:v3+s7+$0x0] =	vst.idx.add.s32.msk $0xffff, v2  }
0x41: {  	v3 =	vld [tilespmem:s12+$0x70];
	_ =	sdelay $0x4  }
0x42: {  	vm15 =	vlt.s32 v3, $0x0  }
0x43: {  	v63 =	vsel vm15, $0x0, v1  }
0x44: {  	v3 =	vxor.u32 v3, v63  }
0x45: {  	p0 =	sne.s32 s11, $0x1FE00;
	v3 =	vshrl.u32 v3, $0x10  }
.Ltmp1:
0x46: {  	_ = 	snop;
	(pc) =	sbr.rel @p0 .LBB2_4-.Ltmp1, $2  }
0x47: {  	_ =	sdelay $0x2  }
0x48: {  	s11 =	sadd.s32 $0x200, s11;
	[tilespmem:v3+s7+$0x0] =	vst.idx.add.s32.msk $0xffff, v2  }
0x49: {  	s10 =	sadd.s32 $0x1, s10  }
0x4a: {  	p0 =	sne.s32 s10, s5  }
.Ltmp2:
0x4b: {  	_ = 	snop;
	(pc) =	sbr.rel @p0 .LBB2_1-.Ltmp2, $4  }
0x4c: {  	[hbm4b:s4+s8] =	stream.strided.scatter [tilespmem:s7], [sflag:$0x1], $0x10000, s9, s8, $0x38;
	[tilespmem:$0x18000] =	vst v63  }
0x4d: {  	_ =	swait.ge [sflag:s6], $0x10000  }
0x4e: {  	[sflag:s6] =	ssyncset.done $0x0  }
0x4f: {  	[sflag:s6] =	ssyncadd.s32 $0xFFFF0000  }
0x50: {  	_ =	sfence.sel $0x180000  }
0x51: {  	[bflag:$0x0] =	sbarrier.arrive $0xFFFF  }
0x52: {  	p0 =	sne.s32 s2, $0x0;
	_ =	strace $0x90000047  }
0x53: {  	s0 =	sadd.s32 @!p0 $0x100000, s0;
	[bflag:$0x2] =	sbarrier.arrive $0xFFFF  }
0x54: {  	[sflag:s0] =	ssyncadd.tile.s32 @!p0 $0x1;
	_ =	shalt  }
.Lfunc_end2:
_tile_overlayer_lowered:
.L_overlay_start_2:
0x55: {  	(tag) =	ssettag $0x2  }
0x56: {  	s0 =	rddreg [dreg:$0x0];
	s2 =	stileid.u32  }
0x57: {  	s1 =	rddreg [dreg:$0x1];
	p0 =	sne.s32 s2, $0x0  }
0x58: {  	s3 =	rddreg [dreg:$0x2];
	[bflag:$0x3] =	sbarrier.arrive $0xFFFF;
	s2 =	simm.s32 @!p0 $0x1C01  }
0x59: {  	[timem:s3], [sflag:s2] =	dma.local @!p0 [hbm:s0], s1  }
0x5a: {  	s0 =	simm.s32 @!p0 $0x1  }
0x5b: {  	_ =	swait.ge @!p0 [sflag:s0], s1  }
0x5c: {  	s1 =	ssub.s32 @!p0 $0x0, s1;
	[sflag:s0] =	ssyncset.done @!p0 $0x0  }
0x5d: {  	[sflag:s0] =	ssyncadd.s32 @!p0 s1  }
0x5e: {  	[bflag:$0x3] =	sbarrier.arrive $0xFFFF  }
0x5f: {  	_ =	shalt  }

// kernel: _es_pallas.7.cloned.1.call-start
scs
__scs_entry_jumppad:
0x0: {  	(pc) =	sbr.rel $0x88, $3  }
0x1: {  	(tag) =	ssettag $0x0;
	lr =	simm.s32 $0x1  }
0x2: {  	[smem:$0x3FA0] =	sst lr;
	_ =	strace $0xD0000000  }
0x3: {  	_ = 	snop  }
0x4: {  	_ = 	snop  }
0x5: {  	_ = 	snop  }
0x6: {  	_ = 	snop  }
0x7: {  	_ = 	snop  }
__scs_overlays_trampoline_lowered:
0x8: {  	[smem:$0x3FAF] =	sst s0  }
0x9: {  	[smem:$0x3FB0] =	sst s1  }
0xa: {  	[smem:$0x3FB1] =	sst s2  }
0xb: {  	[smem:$0x3FB2] =	sst s3  }
0xc: {  	[smem:$0x3FB3] =	sst s4  }
0xd: {  	[smem:$0x3FB4] =	sst s5  }
0xe: {  	[smem:$0x3FB5] =	sst s6  }
0xf: {  	[smem:$0x3FB6] =	sst s7  }
0x10: {  	[smem:$0x3FB7] =	sst s8  }
0x11: {  	[smem:$0x3FB8] =	sst s9;
	s0 =	simm.s32 @!p0 $0x0  }
0x12: {  	s1 =	sld [smem:$0x3F9E];
	s0 =	simm.s32 @p0 $0x1  }
0x13: {  	[smem:$0x3FB9] =	sst s0;
	s0 =	simm.s32 @!p1 $0x0  }
0x14: {  	s2 =	sld [smem:$0x3F9D];
	s0 =	simm.s32 @p1 $0x1  }
0x15: {  	[smem:$0x3FBA] =	sst s0;
	s0 =	simm.s32 @!p2 $0x0  }
0x16: {  	s3 =	sld [smem:$0x3FDB];
	s0 =	simm.s32 @p2 $0x1  }
0x17: {  	s4 =	simm.s32 $0x1BF5;
	[smem:$0x3FBC] =	sst s0  }
0x18: {  	s0 =	sld [smem:$0x3F9F];
	_ =	swait.ge [sflag:s4], $0x0  }
0x19: {  	s7 =	sld [smem:$0x3FA0]  }
0x1a: {  	s8 =	sadd.s32 $0xFFFFE003, lr  }
0x1b: {  	s9 =	sadd.s32 $0xFFFFFEF7, lr;
	s5 =	simm.s32 $0xFFFFFFFF;
	p2 =	slt.u32 s8, $0xFFFFF086  }
0x1c: {  	p1 =	slt.u32 s9, $0xF7A;
	s5 =	simm.s32 @!p2 $0x0  }
0x1d: {  	s5 =	simm.s32 @p1 $0x1;
	p0 =	seq.s32 s7, s2  }
0x1e: {  	s7 =	smul.u32 @!p0 $0xF7A, s2;
	p2 =	seq.s32 @!p0 s5, $0x0  }
0x1f: {  	s9 =	smul.u32 $0xF7A, s1;
	s8 =	simm.s32 @!p0 $0x1BF5;
	p2 =	por !p2, p0  }
0x20: {  	[sflag:s8] =	ssyncset.s32 @!p0 $0xFFFFF086;
	s6 =	sadd.s32 @!p0 s3, s7;
	s7 =	simm.s32 @!p0 $0x108  }
0x21: {  	s3 =	sadd.s32 s3, s9;
	s6 =	sadd.s32 @!p0 $0x88, s6;
	s7 =	simm.s32 @p2 $0x1082  }
0x22: {  	[simem:s7], [sflag:s8] =	dma.local @!p0 [hbm:s6], $0xF7A  }
0x23: {  	s9 =	sor.u32 $0xD0000000, s2;
	s6 =	simm.s32 $0x108;
	_ =	swait.ge @!p0 [sflag:s8], $0x0  }
0x24: {  	s3 =	sadd.s32 $0x88, s3;
	s6 =	simm.s32 @!p1 $0x1082;
	[sflag:s4] =	ssyncset.s32 $0xFFFFF086  }
0x25: {  	[simem:s6], [sflag:s4] =	dma.local [hbm:s3], $0xF7A  }
0x26: {  	[smem:$0x3FA0] =	sst s1;
	(tag) =	ssettag s2;
	_ =	strace s9  }
0x27: {  	s1 =	sld [smem:$0x3FB0]  }
0x28: {  	s2 =	sld [smem:$0x3FB1]  }
0x29: {  	s4 =	sld [smem:$0x3FB3]  }
0x2a: {  	p0 =	seq.s32 s5, $0x0;
	s5 =	sld [smem:$0x3FB4]  }
0x2b: {  	s6 =	sld [smem:$0x3FB5]  }
0x2c: {  	s7 =	sld [smem:$0x3FB6]  }
0x2d: {  	s3 =	simm.s32 $0x108;
	s8 =	sld [smem:$0x3FB7]  }
0x2e: {  	s3 =	simm.s32 @!p0 $0x1082;
	s9 =	sld [smem:$0x3FB8]  }
0x2f: {  	lr =	sadd.s32 s0, s3;
	s0 =	sld [smem:$0x3FAF]  }
0x30: {  	s3 =	sld [smem:$0x3FB2]  }
0x31: {  	[smem:$0x3FBB] =	sst s10  }
0x32: {  	s10 =	sld [smem:$0x3FB9];
	_ =	sdelay $0x3  }
0x33: {  	p0 =	seq.s32 s10, $0x1;
	s10 =	sld [smem:$0x3FBB];
	_ =	sdelay $0x3  }
0x34: {  	[smem:$0x3FBB] =	sst s10  }
0x35: {  	s10 =	sld [smem:$0x3FBA];
	_ =	sdelay $0x3  }
0x36: {  	p1 =	seq.s32 s10, $0x1;
	s10 =	sld [smem:$0x3FBB];
	_ =	sdelay $0x3  }
0x37: {  	[smem:$0x3FBB] =	sst s10  }
0x38: {  	s10 =	sld [smem:$0x3FBC]  }
0x39: {  	_ = 	snop;
	(pc) =	sbr.ind lr, $3  }
0x3a: {  	_ = 	snop  }
0x3b: {  	_ = 	snop  }
0x3c: {  	p2 =	seq.s32 s10, $0x1;
	s10 =	sld [smem:$0x3FBB]  }
0x3d: {  	_ =	shalt  }
0x3e: {  	_ =	shalt  }
0x3f: {  	_ =	shalt  }
0x40: {  	_ =	shalt  }
0x41: {  	_ =	shalt  }
0x42: {  	_ =	shalt  }
0x43: {  	_ =	shalt  }
0x44: {  	_ =	shalt  }
0x45: {  	_ =	shalt  }
0x46: {  	_ =	shalt  }
0x47: {  	_ =	shalt  }
0x48: {  	_ =	shalt  }
0x49: {  	_ =	shalt  }
0x4a: {  	_ =	shalt  }
0x4b: {  	_ =	shalt  }
0x4c: {  	_ =	shalt  }
0x4d: {  	_ =	shalt  }
0x4e: {  	_ =	shalt  }
0x4f: {  	_ =	shalt  }
0x50: {  	_ =	shalt  }
0x51: {  	_ =	shalt  }
0x52: {  	_ =	shalt  }
0x53: {  	_ =	shalt  }
0x54: {  	_ =	shalt  }
0x55: {  	_ =	shalt  }
0x56: {  	_ =	shalt  }
0x57: {  	_ =	shalt  }
0x58: {  	_ =	shalt  }
0x59: {  	_ =	shalt  }
0x5a: {  	_ =	shalt  }
0x5b: {  	_ =	shalt  }
0x5c: {  	_ =	shalt  }
0x5d: {  	_ =	shalt  }
0x5e: {  	_ =	shalt  }
0x5f: {  	_ =	shalt  }
0x60: {  	_ =	shalt  }
0x61: {  	_ =	shalt  }
0x62: {  	_ =	shalt  }
0x63: {  	_ =	shalt  }
0x64: {  	_ =	shalt  }
0x65: {  	_ =	shalt  }
0x66: {  	_ =	shalt  }
0x67: {  	_ =	shalt  }
0x68: {  	_ =	shalt  }
0x69: {  	_ =	shalt  }
0x6a: {  	_ =	shalt  }
0x6b: {  	_ =	shalt  }
0x6c: {  	_ =	shalt  }
0x6d: {  	_ =	shalt  }
0x6e: {  	_ =	shalt  }
0x6f: {  	_ =	shalt  }
0x70: {  	_ =	shalt  }
0x71: {  	_ =	shalt  }
0x72: {  	_ =	shalt  }
0x73: {  	_ =	shalt  }
0x74: {  	_ =	shalt  }
0x75: {  	_ =	shalt  }
0x76: {  	_ =	shalt  }
0x77: {  	_ =	shalt  }
0x78: {  	_ =	shalt  }
0x79: {  	_ =	shalt  }
0x7a: {  	_ =	shalt  }
0x7b: {  	_ =	shalt  }
0x7c: {  	_ =	shalt  }
0x7d: {  	_ =	shalt  }
0x7e: {  	_ =	shalt  }
0x7f: {  	_ =	shalt  }
0x80: {  	_ =	shalt  }
0x81: {  	_ =	shalt  }
0x82: {  	_ =	shalt  }
0x83: {  	_ =	shalt  }
0x84: {  	_ =	shalt  }
0x85: {  	_ =	shalt  }
0x86: {  	_ =	shalt  }
0x87: {  	_ =	shalt  }
.Lfunc_end0:
.L_simem_size_0:
called_computation.1_lowered:
.L_overlay_start_0:
0x88: {  	s2 =	sld [smem:$0x3FD9]  }
0x89: {  	s3 =	sld [smem:$0x3FFE];
	_ =	sdelay $0x1  }
0x8a: {  	s1 =	srdreg.scid  }
0x8b: {  	s0 =	sand.u32 $0x1, s1  }
0x8c: {  	s17 =	sshll.u32 s0, $0xA;
	s2 =	sadd.s32 s3, s2  }
0x8d: {  	s2 =	sadd.s32 s2, s17  }
0x8e: {  	[smem:$0x3FC7] =	sst s2  }
0x8f: {  	_ = 	snop  }
0x90: {  	s2 =	sld [smem:$0x3FC9];
	(tm) =	ssettm $0x1  }
0x91: {  	s18 =	sld [smem:$0x3FFB];
	_ =	sdelay $0x3  }
0x92: {  	_ =	strace s18  }
0x93: {  	s3 =	sld [smem:$0x3FFC];
	_ =	sdelay $0x3  }
0x94: {  	_ =	strace s3  }
0x95: {  	s3 =	sld [smem:$0x3FFD];
	_ =	sdelay $0x3  }
0x96: {  	_ =	strace s3  }
0x97: {  	_ =	strace $0x8FFFFFFF  }
0x98: {  	s19 =	sld [smem:$0x3FDB];
	_ =	sdelay $0x1  }
0x99: {  	s4 =	simm.s32 $_scs_section_size  }
0x9a: {  	s5 =	simm.s32 $_size__tile_overlayer_lowered;
	s6 =	simm.s32 $_tile_overlayer_lowered  }
0x9b: {  	s22 =	simm.s32 $0x1BFF;
	s21 =	sshll.u32 s6, $0x1;
	s3 =	sadd.s32 s4, s19  }
0x9c: {  	s7 =	simm.s32 $0x0;
	s20 =	sshll.u32 s5, $0x1;
	s5 =	sadd.s32 s21, s3  }
0x9d: {  	[timem:s7], [sflag:s22] =	dma.local [hbm:s5], s20  }
0x9e: {  	_ =	swait.ge [sflag:s22], s20  }
0x9f: {  	s4 =	ssub.s32 $0x0, s20;
	[sflag:s22] =	ssyncset.done $0x0  }
0xa0: {  	[sflag:s22] =	ssyncadd.s32 s4;
	_ =	sdelay $0x1  }
0xa1: {  	s23 =	simm.s32 $0x1B8B  }
0xa2: {  	_ =	swait.ge [sflag:s23], $0x1  }
0xa3: {  	[sflag:s23] =	ssyncset.done $0x0  }
0xa4: {  	s25 =	simm.s32 $0x1B8E;
	s24 =	sld [smem:$0x3FFE];
	[sflag:s23] =	ssyncadd.s32 $0xFFFFFFFF  }
0xa5: {  	s26 =	simm.s32 $execute0_lowered;
	[smem:$0x3FD2] =	sst s25  }
0xa6: {  	s5 =	sshll.u32 s26, $0x1;
	_ =	strace $0x80000049;
	[dreg:$0x1] =	wrdreg $0xFFFFFFFF  }
0xa7: {  	s28 =	simm.s32 $_size_execute0_lowered;
	s3 =	sadd.s32 s3, s5;
	[dreg:$0x0] =	wrdreg $0x0  }
0xa8: {  	s5 =	sshll.u32 s28, $0x1;
	[dreg:$0x2] =	wrdreg s3  }
0xa9: {  	[dreg:$0x3] =	wrdreg s5  }
0xaa: {  	[dreg:$0x4] =	wrdreg $0xC0  }
0xab: {  	_ =	task [dreg:s7], $0x5FFFF  }
0xac: {  	[dreg:$0x1] =	wrdreg $0xFFFFFFFF  }
0xad: {  	[dreg:$0x0] =	wrdreg $0x60  }
0xae: {  	[dreg:$0x2] =	wrdreg s2  }
0xaf: {  	[dreg:$0x3] =	wrdreg s24  }
0xb0: {  	[dreg:$0x4] =	wrdreg $0x9  }
0xb1: {  	_ =	task.clear_ibuf [dreg:s7], $0x5FFFF;
	_ =	strace $0x90000049  }
0xb2: {  	s29 =	simm.s32 $0x9;
	_ =	strace $0x8000004B  }
0xb3: {  	_ =	swait.ge [sflag:s29], $0x1  }
0xb4: {  	[sflag:s29] =	ssyncadd.s32 $0xFFFFFFFF  }
0xb5: {  	_ =	strace $0x9000004B  }
0xb6: {  	_ =	sfence  }
0xb7: {  	s30 =	sld [smem:$0x0];
	_ =	sdelay $0x2  }
0xb8: {  	s31 =	sshll.u32 s1, $0xD;
	s1 =	sshrl.u32 s1, $0x2  }
0xb9: {  	s3 =	sand.u32 $0x4000, s31;
	s1 =	sadd.s32 s1, s30  }
0xba: {  	s0 =	sor.u32 s3, s0;
	s1 =	sshll.u32 s1, $0x11  }
0xbb: {  	s0 =	sor.u32 s1, s0  }
0xbc: {  	s0 =	sadd.s32 $0x8F2B, s0  }
0xbd: {  	[sflag:s0] =	ssyncadd.remote.s32 $0x1  }
0xbe: {  	_ =	sfence.sel $0xFFFF  }
0xbf: {  	[dreg:$0x0] =	wrdreg $0xFFFFFFFF;
	(pc) =	sbr.abs _section_cstart, $3  }
0xc0: {  	[dreg:$0x1] =	wrdreg $0xFFFFFFFF  }
0xc1: {  	_ =	task.clear_ibuf [dreg:s7], $0x2FFFF;
	_ =	strace $0x9FFFFFFF  }
0xc2: {  	(tm) =	ssettm $0x7FFFFFFF  }
0xc3: {  	_ =	shalt  }
tec
execute0_lowered:
.L_overlay_start_1:
0x0: {  	(tag) =	ssettag $0x1  }
0x1: {  	s5 =	rddreg [dreg:$0x0]  }
0x2: {  	s0 =	srdreg.scid;
	s2 =	rddreg [dreg:$0x1];
	s3 =	simm.s32 $0x0  }
0x3: {  	s10 =	simm.s32 $0x8000;
	s11 =	simm.s32 $0x80;
	s12 =	simm.s32 $0x400  }
0x4: {  	s13 =	simm.s32 $0x18080;
	s14 =	simm.s32 $0x0;
	s4 =	sand.u32 $0x1, s0  }
0x5: {  	s0 =	stileid.u32;
	[smem:$0x7FF] =	sst s3;
	s1 =	sshll.u32 s4, $0x4  }
0x6: {  	s8 =	sshll.u32 s0, $0x7;
	s4 =	ssub.s32 $0x2, s4;
	s6 =	sor.u32 s0, s1  }
0x7: {  	s1 =	rddreg [dreg:$0x2];
	s8 =	sand.u32 $0x380, s8;
	s7 =	sshrl.u32 s6, $0x3  }
0x8: {  	_ =	strace $0x8000004A;
	s9 =	sshll.u32 s7, $0x13;
	s7 =	sshll.u32 s7, $0xA  }
0x9: {  	s31 =	sshrl.u32 s4, $0x1;
	s9 =	sor.u32 s8, s9;
	s7 =	sor.u32 s8, s7  }
0xa: {  	s6 =	sshll.u32 s6, $0xC;
	s9 =	sshrl.u32 s9, $0x3;
	s7 =	sshrl.u32 s7, $0x3  }
0xb: {  	s8 =	simm.s32 $0x1;
	s30 =	sadd.s32 s9, s2;
	s7 =	sadd.s32 s7, s2  }
0xc: {  	s9 =	ssub.s32 s4, s31;
	s4 =	sadd.s32 s5, s6;
	s5 =	sadd.s32 $0x200, s30  }
0xd: {  	v0 =	vimm.s32 $0x0;
	v1 =	vimm.s32 $0x7FFFFFFF;
	v2 =	vimm.s32 $0x1;
	s6 =	sadd.s32 $0x40200, s7;
	s7 =	smax.u32 s9, $0x1;
	s9 =	simm.s32 $0x18000  }
.LBB2_1:
0xe: {  	[tilespmem:s3], [sflag:$0x1] =	stream.linear.gather [hbm4b:s4+s3], $0x8000, $0x38;
	[tilespmem:$0x18100] =	vst v63  }
0xf: {  	_ =	swait.ge [sflag:s8], $0x8000  }
0x10: {  	[sflag:s8] =	ssyncset.done $0x0  }
0x11: {  	[sflag:s8] =	ssyncadd.s32 $0xFFFF8000  }
0x12: {  	[tilespmem:s9], [sflag:$0x1] =	stream.linear.gather [hbm4b:s2+s3], $0x80, $0x38;
	[tilespmem:$0x18100] =	vst v63  }
0x13: {  	_ =	swait.ge [sflag:s8], $0x80  }
0x14: {  	[sflag:s8] =	ssyncset.done $0x0  }
0x15: {  	[sflag:s8] =	ssyncadd.s32 $0xFFFFFF80  }
0x16: {  	s15 =	simm.s32 $0x0;
	v3 =	vld [tilespmem:$0x18000]  }
.LBB2_2:
0x17: {  	p0 =	sne.s32 s15, $0x3FFC0  }
.Ltmp0:
0x18: {  	_ = 	snop;
	(pc) =	sbr.rel @p0 .LBB2_2-.Ltmp0, $3  }
0x19: {  	_ =	sdelay $0x1  }
0x1a: {  	s16 =	sshra.s32 s15, $0x2  }
0x1b: {  	s15 =	sadd.s32 $0x40, s15;
	[tilespmem:s16+$0x8000] =	vst v0  }
0x1c: {  	v4 =	vimm.f32 $0.0e+00;
	s15 =	simm.s32 $0x0  }
.LBB2_4:
0x1d: {  	s16 =	sshra.s32 s15, $0x2  }
0x1e: {  	v5 =	vld [tilespmem:s16+$0x0];
	_ =	sdelay $0x4  }
0x1f: {  	vm0 =	vlt.s32 v5, $0x0  }
0x20: {  	v6 =	vsel vm0, $0x0, v1  }
0x21: {  	v6 =	vxor.u32 v5, v6  }
0x22: {  	v7 =	vshrl.u32 v6, $0x10  }
0x23: {  	vm6 =	veq.s32 v7, v3  }
0x24: {  	v6 =	vand.u32 $0xFFFF, v6;
	_ =	sdelay $0x4  }
0x25: {  	[tilespmem:v6+s10+$0x0] =	vst.idx.add.s32.msk vm6, v2  }
0x26: {  	v6 =	vld [tilespmem:s16+$0x10];
	_ =	sdelay $0x4  }
0x27: {  	vm7 =	vlt.s32 v6, $0x0  }
0x28: {  	v8 =	vsel vm7, $0x0, v1  }
0x29: {  	v8 =	vxor.u32 v6, v8  }
0x2a: {  	v9 =	vshrl.u32 v8, $0x10  }
0x2b: {  	vm8 =	veq.s32 v9, v3  }
0x2c: {  	v8 =	vand.u32 $0xFFFF, v8;
	_ =	sdelay $0x4  }
0x2d: {  	[tilespmem:v8+s10+$0x0] =	vst.idx.add.s32.msk vm8, v2  }
0x2e: {  	v8 =	vld [tilespmem:s16+$0x20];
	_ =	sdelay $0x4  }
0x2f: {  	vm9 =	vlt.s32 v8, $0x0  }
0x30: {  	v10 =	vsel vm9, $0x0, v1  }
0x31: {  	v10 =	vxor.u32 v8, v10  }
0x32: {  	v11 =	vshrl.u32 v10, $0x10  }
0x33: {  	vm10 =	veq.s32 v11, v3  }
0x34: {  	v10 =	vand.u32 $0xFFFF, v10;
	_ =	sdelay $0x4  }
0x35: {  	[tilespmem:v10+s10+$0x0] =	vst.idx.add.s32.msk vm10, v2  }
0x36: {  	v10 =	vld [tilespmem:s16+$0x30];
	_ =	sdelay $0x4  }
0x37: {  	vm11 =	vlt.s32 v10, $0x0  }
0x38: {  	v12 =	vsel vm11, $0x0, v1  }
0x39: {  	v12 =	vxor.u32 v10, v12  }
0x3a: {  	v13 =	vshrl.u32 v12, $0x10  }
0x3b: {  	vm12 =	veq.s32 v13, v3  }
0x3c: {  	v12 =	vand.u32 $0xFFFF, v12;
	_ =	sdelay $0x4  }
0x3d: {  	[tilespmem:v12+s10+$0x0] =	vst.idx.add.s32.msk vm12, v2  }
0x3e: {  	v12 =	vld [tilespmem:s16+$0x40];
	_ =	sdelay $0x4  }
0x3f: {  	vm13 =	vlt.s32 v12, $0x0  }
0x40: {  	v14 =	vsel vm13, $0x0, v1  }
0x41: {  	v14 =	vxor.u32 v12, v14  }
0x42: {  	v15 =	vshrl.u32 v14, $0x10  }
0x43: {  	vm14 =	veq.s32 v15, v3  }
0x44: {  	v14 =	vand.u32 $0xFFFF, v14;
	_ =	sdelay $0x4  }
0x45: {  	[tilespmem:v14+s10+$0x0] =	vst.idx.add.s32.msk vm14, v2  }
0x46: {  	v14 =	vld [tilespmem:s16+$0x50];
	_ =	sdelay $0x4  }
0x47: {  	vm15 =	vlt.s32 v14, $0x0  }
0x48: {  	v16 =	vsel vm15, $0x0, v1  }
0x49: {  	v16 =	vxor.u32 v14, v16  }
0x4a: {  	v17 =	vshrl.u32 v16, $0x10  }
0x4b: {  	vm4 =	veq.s32 v17, v3  }
0x4c: {  	v16 =	vand.u32 $0xFFFF, v16;
	_ =	sdelay $0x4  }
0x4d: {  	[tilespmem:v16+s10+$0x0] =	vst.idx.add.s32.msk vm4, v2  }
0x4e: {  	v16 =	vld [tilespmem:s16+$0x60];
	_ =	sdelay $0x4  }
0x4f: {  	vm5 =	vlt.s32 v16, $0x0  }
0x50: {  	v18 =	vsel vm5, $0x0, v1  }
0x51: {  	v18 =	vxor.u32 v16, v18  }
0x52: {  	v19 =	vshrl.u32 v18, $0x10  }
0x53: {  	vm6 =	veq.s32 v19, v3  }
0x54: {  	v18 =	vand.u32 $0xFFFF, v18;
	_ =	sdelay $0x4  }
0x55: {  	vm7 =	vgt.u32 v7, v3;
	[tilespmem:v18+s10+$0x0] =	vst.idx.add.s32.msk vm6, v2  }
0x56: {  	v5 =	vnsel vm7, $0x0, v5;
	v7 =	vld [tilespmem:s16+$0x70]  }
0x57: {  	v4 =	vadd.f32 v5, v4;
	vm8 =	vgt.u32 v9, v3  }
0x58: {  	v5 =	vnsel vm8, $0x0, v6  }
0x59: {  	v4 =	vadd.f32 v5, v4;
	vm9 =	vgt.u32 v11, v3  }
0x5a: {  	v5 =	vnsel vm9, $0x0, v8  }
0x5b: {  	v4 =	vadd.f32 v5, v4;
	vm10 =	vgt.u32 v13, v3;
	vm1 =	vlt.s32 v7, $0x0  }
0x5c: {  	v5 =	vnsel vm10, $0x0, v10;
	v6 =	vsel vm1, $0x0, v1  }
0x5d: {  	v4 =	vadd.f32 v5, v4;
	vm11 =	vgt.u32 v15, v3;
	v5 =	vxor.u32 v7, v6  }
0x5e: {  	v6 =	vnsel vm11, $0x0, v12;
	v63 =	vshrl.u32 v5, $0x10  }
0x5f: {  	vm12 =	vgt.u32 v17, v3;
	v4 =	vadd.f32 v6, v4;
	vm13 =	veq.s32 v63, v3  }
0x60: {  	p0 =	sne.s32 s15, $0x1FE00;
	v6 =	vnsel vm12, $0x0, v14;
	v5 =	vand.u32 $0xFFFF, v5  }
.Ltmp1:
0x61: {  	vm14 =	vgt.u32 v19, v3;
	v4 =	vadd.f32 v6, v4;
	(pc) =	sbr.rel @p0 .LBB2_4-.Ltmp1, $4  }
0x62: {  	v6 =	vnsel vm14, $0x0, v16  }
0x63: {  	vm15 =	vgt.u32 v63, v3;
	v4 =	vadd.f32 v6, v4  }
0x64: {  	v6 =	vnsel vm15, $0x0, v7  }
0x65: {  	s15 =	sadd.s32 $0x200, s15;
	v4 =	vadd.f32 v6, v4;
	[tilespmem:v5+s10+$0x0] =	vst.idx.add.s32.msk vm13, v2  }
0x66: {  	[hbm4b:s5+s11] =	stream.strided.scatter [tilespmem:s10], [sflag:$0x1], $0x10000, s12, s11, $0x38;
	[tilespmem:$0x18100] =	vst v63  }
0x67: {  	_ =	swait.ge [sflag:s8], $0x10000  }
0x68: {  	s14 =	sadd.s32 $0x1, s14;
	[sflag:s8] =	ssyncset.done $0x0  }
0x69: {  	p0 =	sne.s32 s14, s7;
	[sflag:s8] =	ssyncadd.s32 $0xFFFF0000  }
.Ltmp2:
0x6a: {  	[tilespmem:$0x18080] =	vst v4;
	(pc) =	sbr.rel @p0 .LBB2_1-.Ltmp2, $4  }
0x6b: {  	[hbm4b:s6+s3] =	stream.linear.scatter [tilespmem:s13], [sflag:$0x1], $0x80, $0x38;
	[tilespmem:$0x18100] =	vst v63  }
0x6c: {  	_ =	swait.ge [sflag:s8], $0x80  }
0x6d: {  	[sflag:s8] =	ssyncset.done $0x0  }
0x6e: {  	[sflag:s8] =	ssyncadd.s32 $0xFFFFFF80  }
0x6f: {  	_ =	sfence.sel $0x180000  }
0x70: {  	[bflag:$0x0] =	sbarrier.arrive $0xFFFF  }
0x71: {  	p0 =	sne.s32 s0, $0x0;
	_ =	strace $0x9000004A  }
0x72: {  	s0 =	sadd.s32 @!p0 $0x100000, s1;
	[bflag:$0x2] =	sbarrier.arrive $0xFFFF  }
0x73: {  	[sflag:s0] =	ssyncadd.tile.s32 @!p0 $0x1;
	_ =	shalt  }
.Lfunc_end2:
_tile_overlayer_lowered:
.L_overlay_start_2:
0x74: {  	(tag) =	ssettag $0x2  }
0x75: {  	s0 =	rddreg [dreg:$0x0];
	s2 =	stileid.u32  }
0x76: {  	s1 =	rddreg [dreg:$0x1];
	p0 =	sne.s32 s2, $0x0  }
0x77: {  	s3 =	rddreg [dreg:$0x2];
	[bflag:$0x3] =	sbarrier.arrive $0xFFFF;
	s2 =	simm.s32 @!p0 $0x1C01  }
0x78: {  	[timem:s3], [sflag:s2] =	dma.local @!p0 [hbm:s0], s1  }
0x79: {  	s0 =	simm.s32 @!p0 $0x1  }
0x7a: {  	_ =	swait.ge @!p0 [sflag:s0], s1  }
0x7b: {  	s1 =	ssub.s32 @!p0 $0x0, s1;
	[sflag:s0] =	ssyncset.done @!p0 $0x0  }
0x7c: {  	[sflag:s0] =	ssyncadd.s32 @!p0 s1  }
0x7d: {  	[bflag:$0x3] =	sbarrier.arrive $0xFFFF  }
0x7e: {  	_ =	shalt  }

</sc_bundles>
